<compile_context>
chip_gen: v7x
topology: tpu7x:2x2x1
jax: 0.10.2.dev20260603
libtpu: 0.0.44.dev20260713+nightly
codegen_flags: <defaults>
</compile_context>

<pallas_src>
import functools

import jax
import jax.numpy as jnp
from jax import lax
from jax.experimental import pallas as pl
from jax.experimental.pallas import tpu as pltpu
from jax.experimental.pallas import tpu_sc as plsc

NC = 2
NS = 16
NW = NC * NS

SUB = 128
K = 2
CH = SUB * K
GQ = 5
EQ = CH * GQ
NQ = 8
NPAD = 10240
EPW = EQ * NQ
EPAD = NW * EPW
ZR = 128


def _matmul_body(x_ref, w_ref, b_ref, o_ref):
    o_ref[...] = lax.dot_general(
        x_ref[...], w_ref[...],
        (((1,), (1,)), ((), ())),
        preferred_element_type=jnp.float32,
    ) + b_ref[...]


def _add3_body(a_ref, b_ref, c_ref, o_ref):
    o_ref[...] = a_ref[...] + b_ref[...] + c_ref[...]


def _make_sc_agg(N, D):
    RT = NPAD // NS

    def body(out_hbm, row_hbm, col_hbm, agg0, agg1,
             acc, msgs, row_a, col_a, row_b, col_b, sg0, sg1, ss0, ss1):
        sem_g = [sg0, sg1]
        sem_s = [ss0, ss1]
        row_bufs = [row_a, row_b]
        col_bufs = [col_a, col_b]
        c = lax.axis_index("c")
        s = lax.axis_index("s")
        w = c * NS + s
        wbase = w * EPW

        def zvec(i, _):
            r = i // (D // 16)
            j = i % (D // 16)
            msgs[r, pl.ds(j * 16, 16)] = jnp.zeros((16,), jnp.float32)
            return 0
        lax.fori_loop(0, CH * (D // 16), zvec, 0)

        def zcopy(i, _):
            pltpu.sync_copy(msgs.at[pl.ds(0, ZR)],
                            acc.at[pl.ds(s * RT + i * ZR, ZR)])
            return 0
        lax.fori_loop(0, RT // ZR, zcopy, 0)
        plsc.subcore_barrier()

        pltpu.sync_copy(row_hbm.at[pl.ds(wbase, EQ)], row_b)
        for j in range(K):
            pltpu.async_copy(msgs.at[pl.ds(j * SUB, SUB)],
                             acc.at[row_b.at[pl.ds(j * SUB, SUB)]],
                             sem_s[j], add=True)

        def pair(qq, _):
            for p in range(2):
                q = qq * 2 + p
                row_big = row_bufs[p]
                col_big = col_bufs[p]
                ebase = wbase + q * EQ
                pltpu.sync_copy(row_hbm.at[pl.ds(ebase, EQ)], row_big)
                pltpu.sync_copy(col_hbm.at[pl.ds(ebase, EQ)], col_big)

                def group(g, _):
                    cps = []
                    for j in range(K):
                        off = (g * K + j) * SUB
                        pltpu.make_async_copy(
                            msgs.at[pl.ds(j * SUB, SUB)],
                            acc.at[row_big.at[pl.ds(off, SUB)]],
                            sem_s[j]).wait()
                        cps.append(pltpu.async_copy(
                            out_hbm.at[col_big.at[pl.ds(off, SUB)]],
                            msgs.at[pl.ds(j * SUB, SUB)], sem_g[j]))
                    for j in range(K):
                        off = (g * K + j) * SUB
                        cps[j].wait()
                        pltpu.async_copy(msgs.at[pl.ds(j * SUB, SUB)],
                                         acc.at[row_big.at[pl.ds(off, SUB)]],
                                         sem_s[j], add=True)
                    return 0
                lax.fori_loop(0, GQ, group, 0)
            return 0
        lax.fori_loop(0, NQ // 2, pair, 0)

        for j in range(K):
            pltpu.make_async_copy(msgs.at[pl.ds(j * SUB, SUB)],
                                  acc.at[row_b.at[pl.ds(j * SUB, SUB)]],
                                  sem_s[j]).wait()
        plsc.subcore_barrier()

        @pl.when(c == 0)
        def _():
            pltpu.sync_copy(acc.at[pl.ds(s * RT, RT)],
                            agg0.at[pl.ds(s * RT, RT)])

        @pl.when(c == 1)
        def _():
            pltpu.sync_copy(acc.at[pl.ds(s * RT, RT)],
                            agg1.at[pl.ds(s * RT, RT)])

    mesh = plsc.VectorSubcoreMesh(
        core_axis_name="c", subcore_axis_name="s",
        num_cores=NC, num_subcores=NS)
    return pl.kernel(
        body,
        out_type=(
            jax.ShapeDtypeStruct((NPAD, D), jnp.float32),
            jax.ShapeDtypeStruct((NPAD, D), jnp.float32),
        ),
        mesh=mesh,
        scratch_types=[
            pltpu.VMEM_SHARED((NPAD, D), jnp.float32),
            pltpu.VMEM((CH, D), jnp.float32),
            pltpu.VMEM((EQ,), jnp.int32),
            pltpu.VMEM((EQ,), jnp.int32),
            pltpu.VMEM((EQ,), jnp.int32),
            pltpu.VMEM((EQ,), jnp.int32),
            pltpu.SemaphoreType.DMA,
            pltpu.SemaphoreType.DMA,
            pltpu.SemaphoreType.DMA,
            pltpu.SemaphoreType.DMA,
        ],
        name="sc_graph_agg",
    )


@jax.jit
def kernel(x, edge_index, W, b):
    N, D_in = x.shape
    D = W.shape[0]
    E = edge_index.shape[1]
    assert EPAD >= E and NPAD % (NS * ZR) == 0

    BM = 1000
    out = pl.pallas_call(
        _matmul_body,
        grid=(N // BM,),
        in_specs=[
            pl.BlockSpec((BM, D_in), lambda i: (i, 0)),
            pl.BlockSpec((D, D_in), lambda i: (0, 0)),
            pl.BlockSpec((1, D), lambda i: (0, 0)),
        ],
        out_specs=pl.BlockSpec((BM, D), lambda i: (i, 0)),
        out_shape=jax.ShapeDtypeStruct((N, D), jnp.float32),
    )(x, W, b.reshape(1, D))

    npad_e = EPAD - E
    rpad = N + (jnp.arange(npad_e, dtype=jnp.int32) % (NPAD - N))
    cpad = jnp.arange(npad_e, dtype=jnp.int32) % N
    row = jnp.concatenate([edge_index[0], rpad])
    col = jnp.concatenate([edge_index[1], cpad])

    agg0, agg1 = _make_sc_agg(N, D)(out, row, col)

    final = pl.pallas_call(
        _add3_body,
        grid=(N // BM,),
        in_specs=[pl.BlockSpec((BM, D), lambda i: (i, 0))] * 3,
        out_specs=pl.BlockSpec((BM, D), lambda i: (i, 0)),
        out_shape=jax.ShapeDtypeStruct((N, D), jnp.float32),
    )(out, agg0, agg1)
    return final

# --- scband reference (transcript-rebuilt; emitter-appended) ---
"""Pipeline reference for scband-graph-conv-56573309223701 (READ-ONLY COPY).

The authoritative reference and input builder live on the scoring server;
editing this copy changes nothing except your own understanding.
"""

import jax, jax.numpy as jnp
import numpy as np

N = 10000
E = 320000
D_IN = 128
D_OUT = 128


def setup_inputs(seed: int = 0) -> dict:
    key = jax.random.key(seed)
    k1, k2, k3, k4 = jax.random.split(key, 4)
    x = jax.random.normal(k1, (N, D_IN), dtype=jnp.float32)
    edge_index = jax.random.randint(k2, (2, E), 0, N, dtype=jnp.int32)
    # torch.nn.Linear params: weight [out, in], bias [out]
    bound = 1.0 / np.sqrt(D_IN)
    W = jax.random.uniform(k3, (D_OUT, D_IN), dtype=jnp.float32, minval=-bound, maxval=bound)
    b = jax.random.uniform(k4, (D_OUT,), dtype=jnp.float32, minval=-bound, maxval=bound)
    return {"x": x, "edge_index": edge_index, "W": W, "b": b}


def reference(x, edge_index, W, b):
    # GraphConv (SAGPool-style): linear transform then scatter-add neighbor
    # features from source (col) into destination (row), plus self term.
    row = edge_index[0]
    col = edge_index[1]
    out = x @ W.T + b                      # [N, D_OUT]
    msgs = jnp.take(out, col, axis=0)      # gather: [E, D_OUT]
    agg = jax.ops.segment_sum(msgs, row, num_segments=x.shape[0])  # scatter-add: [N, D_OUT]
    return out + agg

if __name__ == "__main__":
    import jax
    _d = setup_inputs()
    print(jax.jit(kernel)(*tuple(_d.values())))

</pallas_src>

<mosaic_0001>
#map = affine_map<(d0, d1) -> (0, 0)>
#map1 = affine_map<(d0, d1) -> (0)>
module attributes {stable_mosaic.version = 14 : i64} {
  func.func @sc_graph_agg(%arg0: i32, %arg1: i32, %arg2: memref<10000x128xf32, #tpu.memory_space<hbm>>, %arg3: memref<327680xi32, #tpu.memory_space<hbm>>, %arg4: memref<327680xi32, #tpu.memory_space<hbm>>, %arg5: memref<10240x128xf32, #tpu.memory_space<hbm>>, %arg6: memref<10240x128xf32, #tpu.memory_space<hbm>>, %arg7: memref<10240x128xf32, #tpu.memory_space<vmem_shared>>, %arg8: memref<256x128xf32, #tpu.memory_space<vmem>>, %arg9: memref<1280xi32, #tpu.memory_space<vmem>>, %arg10: memref<1280xi32, #tpu.memory_space<vmem>>, %arg11: memref<1280xi32, #tpu.memory_space<vmem>>, %arg12: memref<1280xi32, #tpu.memory_space<vmem>>, %arg13: memref<!tpu.dma_semaphore, #tpu.memory_space<semaphore_mem>>, %arg14: memref<!tpu.dma_semaphore, #tpu.memory_space<semaphore_mem>>, %arg15: memref<!tpu.dma_semaphore, #tpu.memory_space<semaphore_mem>>, %arg16: memref<!tpu.dma_semaphore, #tpu.memory_space<semaphore_mem>>) attributes {dimension_semantics = [#tpu.dimension_semantics<core_parallel>, #tpu.dimension_semantics<subcore_parallel>], iteration_bounds = array<i64: 2, 16>, scalar_prefetch = 0 : i64, scratch_operands = 10 : i64, tpu.core_type = #tpu.core_type<sc_vector_subcore>, window_params = [{transform_indices = #map}, {transform_indices = #map1}, {transform_indices = #map1}, {transform_indices = #map}, {transform_indices = #map}]} {
    %mul3A = arith.constant 16 : i32
    %mul3A_0 = arith.muli %arg0, %mul3A : i32
    %add3A = arith.addi %mul3A_0, %arg1 : i32
    %mul3A_1 = arith.constant 10240 : i32
    %mul3A_2 = arith.muli %add3A, %mul3A_1 : i32
    %scan3A = arith.constant 0 : i32
    %scan3A_3 = arith.constant 0 : i32
    %scan3A_4 = arith.constant 2048 : i32
    %scan3A_5 = arith.addi %scan3A_3, %scan3A_4 : i32
    %scan3A_6 = arith.constant 1 : i32
    %scan3A_7 = scf.for %scan3A_61 = %scan3A_3 to %scan3A_5 step %scan3A_6 iter_args(%scan3A_62 = %scan3A) -> (i32)  : i32 {
      %jit3A = arith.constant 8 : i32
      %div3A = arith.divsi %scan3A_61, %jit3A : i32
      %sign3A = arith.constant 0 : i32
      %sign3A_63 = arith.cmpi sgt, %scan3A_61, %sign3A : i32
      %sign3A_64 = arith.extui %sign3A_63 : i1 to i32
      %sign3A_65 = arith.constant 0 : i32
      %sign3A_66 = arith.cmpi slt, %scan3A_61, %sign3A_65 : i32
      %sign3A_67 = arith.extui %sign3A_66 : i1 to i32
      %sign3A_68 = arith.subi %sign3A_64, %sign3A_67 : i32
      %sign3A_69 = arith.constant 0 : i32
      %sign3A_70 = arith.cmpi sgt, %jit3A, %sign3A_69 : i32
      %sign3A_71 = arith.extui %sign3A_70 : i1 to i32
      %sign3A_72 = arith.constant 0 : i32
      %sign3A_73 = arith.cmpi slt, %jit3A, %sign3A_72 : i32
      %sign3A_74 = arith.extui %sign3A_73 : i1 to i32
      %sign3A_75 = arith.subi %sign3A_71, %sign3A_74 : i32
      %ne3A = arith.cmpi ne, %sign3A_68, %sign3A_75 : i32
      %rem3A = arith.remsi %scan3A_61, %jit3A : i32
      %ne3A_76 = arith.constant 0 : i32
      %ne3A_77 = arith.cmpi ne, %rem3A, %ne3A_76 : i32
      %and3A = arith.andi %ne3A, %ne3A_77 : i1
      %sub3A = arith.constant 1 : i32
      %sub3A_78 = arith.subi %div3A, %sub3A : i32
      %select_n3A = arith.select %and3A, %sub3A_78, %div3A : i32
      %jit3A_79 = arith.constant 8 : i32
      %eq3A_80 = arith.constant 0 : i32
      %eq3A_81 = arith.cmpi eq, %jit3A_79, %eq3A_80 : i32
      %jit3A_82 = arith.constant 1 : i32
      %select_n3A_83 = arith.select %eq3A_81, %jit3A_82, %jit3A_79 : i32
      %rem3A_84 = arith.remsi %scan3A_61, %select_n3A_83 : i32
      %ne3A_85 = arith.constant 0 : i32
      %ne3A_86 = arith.cmpi ne, %rem3A_84, %ne3A_85 : i32
      %lt3A = arith.constant 0 : i32
      %lt3A_87 = arith.cmpi slt, %rem3A_84, %lt3A : i32
      %lt3A_88 = arith.constant 0 : i32
      %lt3A_89 = arith.cmpi slt, %select_n3A_83, %lt3A_88 : i32
      %ne3A_90 = arith.xori %lt3A_87, %lt3A_89 : i1
      %and3A_91 = arith.andi %ne3A_90, %ne3A_86 : i1
      %add3A_92 = arith.addi %rem3A_84, %select_n3A_83 : i32
      %select_n3A_93 = arith.select %and3A_91, %add3A_92, %rem3A_84 : i32
      %broadcast_in_dim3A = arith.constant 0.000000e+00 : f32
      %broadcast_in_dim3A_94 = vector.broadcast %broadcast_in_dim3A : f32 to vector<16xf32>
      %mul3A_95 = arith.constant 16 : i32
      %mul3A_96 = arith.muli %select_n3A_93, %mul3A_95 : i32
      %swap3A = arith.index_cast %select_n3A : i32 to index
      %swap3A_97 = arith.index_cast %mul3A_96 : i32 to index
      %swap3A_98 = tpu.vector_load %arg8[%swap3A, %swap3A_97] {strides = array<i32>} : memref<256x128xf32, #tpu.memory_space<vmem>>, vector<1x16xf32>,
      %swap3A_99 = vector.shape_cast %swap3A_98 : vector<1x16xf32> to vector<16xf32>
      %swap3A_100 = vector.shape_cast %broadcast_in_dim3A_94 : vector<16xf32> to vector<1x16xf32>
      tpu.vector_store %arg8[%swap3A, %swap3A_97], %swap3A_100 {strides = array<i32>} : memref<256x128xf32, #tpu.memory_space<vmem>>, vector<1x16xf32>,
      %scan3A_101 = arith.constant 0 : i32
      scf.yield %scan3A_101 : i32
    }
    %scan3A_8 = arith.constant 2048 : i32
    %scan3A_9 = arith.constant 0 : i32
    %scan3A_10 = arith.constant 0 : i32
    %scan3A_11 = arith.constant 5 : i32
    %scan3A_12 = arith.addi %scan3A_10, %scan3A_11 : i32
    %scan3A_13 = arith.constant 1 : i32
    %scan3A_14 = scf.for %scan3A_61 = %scan3A_10 to %scan3A_12 step %scan3A_13 iter_args(%scan3A_62 = %scan3A_9) -> (i32)  : i32 {
      %mul3A_63 = arith.constant 640 : i32
      %mul3A_64 = arith.muli %arg1, %mul3A_63 : i32
      %mul3A_65 = arith.constant 128 : i32
      %mul3A_66 = arith.muli %scan3A_61, %mul3A_65 : i32
      %add3A_67 = arith.addi %mul3A_64, %mul3A_66 : i32
      "tpu.region"() ({
        %run_scoped3A = tpu.sem_alloc : memref<!tpu.dma_semaphore, #tpu.memory_space<semaphore_mem>>
        %dma_start3A_69 = arith.constant 0 : i32
        %dma_start3A_70 = arith.constant 0 : i32
        %dma_start3A_71 = tpu.memref_slice %arg8[%dma_start3A_69, %dma_start3A_70] : memref<256x128xf32, #tpu.memory_space<vmem>> -> memref<128x128xf32, #tpu.memory_space<vmem>>
        %dma_start3A_72 = arith.constant 0 : i32
        %dma_start3A_73 = tpu.memref_slice %arg7[%add3A_67, %dma_start3A_72] : memref<10240x128xf32, #tpu.memory_space<vmem_shared>> -> memref<128x128xf32, #tpu.memory_space<vmem_shared>>
        %dma_start3A_74 = arith.constant 0 : i32
        %dma_start3A_75 = tpu.memref_slice %arg7[%add3A_67, %dma_start3A_74] : memref<10240x128xf32, #tpu.memory_space<vmem_shared>> -> memref<128x128xf32, #tpu.memory_space<vmem_shared>>
        %dma_start3A_76 = arith.constant 0 : i32
        %dma_start3A_77 = arith.constant 0 : i32
        %dma_start3A_78 = tpu.memref_slice %arg8[%dma_start3A_76, %dma_start3A_77] : memref<256x128xf32, #tpu.memory_space<vmem>> -> memref<128x128xf32, #tpu.memory_space<vmem>>
        tpu.enqueue_dma source(%dma_start3A_78 : memref<128x128xf32, #tpu.memory_space<vmem>>) target(%dma_start3A_75 : memref<128x128xf32, #tpu.memory_space<vmem_shared>>) target_semaphore(%run_scoped3A : memref<!tpu.dma_semaphore, #tpu.memory_space<semaphore_mem>>)
        %dma_wait3A_79 = arith.constant 0 : i32
        %dma_wait3A_80 = arith.constant 0 : i32
        %dma_wait3A_81 = tpu.memref_slice %arg8[%dma_wait3A_79, %dma_wait3A_80] : memref<256x128xf32, #tpu.memory_space<vmem>> -> memref<128x128xf32, #tpu.memory_space<vmem>>
        %dma_wait3A_82 = arith.constant 0 : i32
        %dma_wait3A_83 = tpu.memref_slice %arg7[%add3A_67, %dma_wait3A_82] : memref<10240x128xf32, #tpu.memory_space<vmem_shared>> -> memref<128x128xf32, #tpu.memory_space<vmem_shared>>
        %dma_wait3A_84 = arith.constant 0 : i32
        %dma_wait3A_85 = tpu.memref_slice %arg7[%add3A_67, %dma_wait3A_84] : memref<10240x128xf32, #tpu.memory_space<vmem_shared>> -> memref<128x128xf32, #tpu.memory_space<vmem_shared>>
        %dma_wait3A_86 = arith.constant 0 : i32
        %dma_wait3A_87 = arith.constant 0 : i32
        %dma_wait3A_88 = tpu.memref_slice %arg8[%dma_wait3A_86, %dma_wait3A_87] : memref<256x128xf32, #tpu.memory_space<vmem>> -> memref<128x128xf32, #tpu.memory_space<vmem>>
        tpu.wait_dma2 semaphore(%run_scoped3A : memref<!tpu.dma_semaphore, #tpu.memory_space<semaphore_mem>>) src(%dma_wait3A_88 : memref<128x128xf32, #tpu.memory_space<vmem>>) dst(%dma_wait3A_85 : memref<128x128xf32, #tpu.memory_space<vmem_shared>>)
        tpu.yield
      }) : () -> ()
      %scan3A_68 = arith.constant 0 : i32
      scf.yield %scan3A_68 : i32
    }
    %scan3A_15 = arith.constant 5 : i32
    %barrier3A = arith.constant 0 : index
    tpu.barrier barrier_id(%barrier3A)
    "tpu.region"() ({
      %run_scoped3A = tpu.sem_alloc : memref<!tpu.dma_semaphore, #tpu.memory_space<semaphore_mem>>
      %dma_start3A_61 = tpu.memref_slice %arg3[%mul3A_2] : memref<327680xi32, #tpu.memory_space<hbm>> -> memref<1280xi32, #tpu.memory_space<hbm>>
      %dma_start3A_62 = tpu.memref_slice %arg3[%mul3A_2] : memref<327680xi32, #tpu.memory_space<hbm>> -> memref<1280xi32, #tpu.memory_space<hbm>>
      tpu.enqueue_dma source(%dma_start3A_62 : memref<1280xi32, #tpu.memory_space<hbm>>) target(%arg11 : memref<1280xi32, #tpu.memory_space<vmem>>) target_semaphore(%run_scoped3A : memref<!tpu.dma_semaphore, #tpu.memory_space<semaphore_mem>>)
      %dma_wait3A_63 = tpu.memref_slice %arg3[%mul3A_2] : memref<327680xi32, #tpu.memory_space<hbm>> -> memref<1280xi32, #tpu.memory_space<hbm>>
      %dma_wait3A_64 = tpu.memref_slice %arg3[%mul3A_2] : memref<327680xi32, #tpu.memory_space<hbm>> -> memref<1280xi32, #tpu.memory_space<hbm>>
      tpu.wait_dma2 semaphore(%run_scoped3A : memref<!tpu.dma_semaphore, #tpu.memory_space<semaphore_mem>>) src(%dma_wait3A_64 : memref<1280xi32, #tpu.memory_space<hbm>>) dst(%arg11 : memref<1280xi32, #tpu.memory_space<vmem>>)
      tpu.yield
    }) : () -> ()
    %dma_start3A = arith.constant 0 : i32
    %dma_start3A_16 = arith.constant 0 : i32
    %dma_start3A_17 = tpu.memref_slice %arg8[%dma_start3A, %dma_start3A_16] : memref<256x128xf32, #tpu.memory_space<vmem>> -> memref<128x128xf32, #tpu.memory_space<vmem>>
    %dma_start3A_18 = arith.constant 0 : i32
    %dma_start3A_19 = tpu.memref_slice %arg11[%dma_start3A_18] : memref<1280xi32, #tpu.memory_space<vmem>> -> memref<128xi32, #tpu.memory_space<vmem>>
    %dma_start3A_20 = arith.constant 0 : i32
    %dma_start3A_21 = arith.constant 0 : i32
    %dma_start3A_22 = tpu.memref_slice %arg7[%dma_start3A_20, %dma_start3A_21] : memref<10240x128xf32, #tpu.memory_space<vmem_shared>> -> memref<10240x128xf32, #tpu.memory_space<vmem_shared>>
    tpu.enqueue_indirect_dma source(%dma_start3A_17 : memref<128x128xf32, #tpu.memory_space<vmem>>) target(%dma_start3A_22 : memref<10240x128xf32, #tpu.memory_space<vmem_shared>>) offsets(%dma_start3A_19 : memref<128xi32, #tpu.memory_space<vmem>>) semaphore(%arg15 : memref<!tpu.dma_semaphore, #tpu.memory_space<semaphore_mem>>) {add = true}
    %dma_start3A_23 = arith.constant 128 : i32
    %dma_start3A_24 = arith.constant 0 : i32
    %dma_start3A_25 = tpu.memref_slice %arg8[%dma_start3A_23, %dma_start3A_24] : memref<256x128xf32, #tpu.memory_space<vmem>> -> memref<128x128xf32, #tpu.memory_space<vmem>>
    %dma_start3A_26 = arith.constant 128 : i32
    %dma_start3A_27 = tpu.memref_slice %arg11[%dma_start3A_26] : memref<1280xi32, #tpu.memory_space<vmem>> -> memref<128xi32, #tpu.memory_space<vmem>>
    %dma_start3A_28 = arith.constant 0 : i32
    %dma_start3A_29 = arith.constant 0 : i32
    %dma_start3A_30 = tpu.memref_slice %arg7[%dma_start3A_28, %dma_start3A_29] : memref<10240x128xf32, #tpu.memory_space<vmem_shared>> -> memref<10240x128xf32, #tpu.memory_space<vmem_shared>>
    tpu.enqueue_indirect_dma source(%dma_start3A_25 : memref<128x128xf32, #tpu.memory_space<vmem>>) target(%dma_start3A_30 : memref<10240x128xf32, #tpu.memory_space<vmem_shared>>) offsets(%dma_start3A_27 : memref<128xi32, #tpu.memory_space<vmem>>) semaphore(%arg16 : memref<!tpu.dma_semaphore, #tpu.memory_space<semaphore_mem>>) {add = true}
    %scan3A_31 = arith.constant 0 : i32
    %scan3A_32 = arith.constant 0 : i32
    %scan3A_33 = arith.constant 4 : i32
    %scan3A_34 = arith.addi %scan3A_32, %scan3A_33 : i32
    %scan3A_35 = arith.constant 1 : i32
    %scan3A_36 = scf.for %scan3A_61 = %scan3A_32 to %scan3A_34 step %scan3A_35 iter_args(%scan3A_62 = %scan3A_31) -> (i32)  : i32 {
      %mul3A_63 = arith.constant 2 : i32
      %mul3A_64 = arith.muli %scan3A_61, %mul3A_63 : i32
      %add3A_65 = arith.constant 0 : i32
      %add3A_66 = arith.addi %mul3A_64, %add3A_65 : i32
      %mul3A_67 = arith.constant 1280 : i32
      %mul3A_68 = arith.muli %add3A_66, %mul3A_67 : i32
      %add3A_69 = arith.addi %mul3A_2, %mul3A_68 : i32
      "tpu.region"() ({
        %run_scoped3A = tpu.sem_alloc : memref<!tpu.dma_semaphore, #tpu.memory_space<semaphore_mem>>
        %dma_start3A_92 = tpu.memref_slice %arg3[%add3A_69] : memref<327680xi32, #tpu.memory_space<hbm>> -> memref<1280xi32, #tpu.memory_space<hbm>>
        %dma_start3A_93 = tpu.memref_slice %arg3[%add3A_69] : memref<327680xi32, #tpu.memory_space<hbm>> -> memref<1280xi32, #tpu.memory_space<hbm>>
        tpu.enqueue_dma source(%dma_start3A_93 : memref<1280xi32, #tpu.memory_space<hbm>>) target(%arg9 : memref<1280xi32, #tpu.memory_space<vmem>>) target_semaphore(%run_scoped3A : memref<!tpu.dma_semaphore, #tpu.memory_space<semaphore_mem>>)
        %dma_wait3A_94 = tpu.memref_slice %arg3[%add3A_69] : memref<327680xi32, #tpu.memory_space<hbm>> -> memref<1280xi32, #tpu.memory_space<hbm>>
        %dma_wait3A_95 = tpu.memref_slice %arg3[%add3A_69] : memref<327680xi32, #tpu.memory_space<hbm>> -> memref<1280xi32, #tpu.memory_space<hbm>>
        tpu.wait_dma2 semaphore(%run_scoped3A : memref<!tpu.dma_semaphore, #tpu.memory_space<semaphore_mem>>) src(%dma_wait3A_95 : memref<1280xi32, #tpu.memory_space<hbm>>) dst(%arg9 : memref<1280xi32, #tpu.memory_space<vmem>>)
        tpu.yield
      }) : () -> ()
      "tpu.region"() ({
        %run_scoped3A = tpu.sem_alloc : memref<!tpu.dma_semaphore, #tpu.memory_space<semaphore_mem>>
        %dma_start3A_92 = tpu.memref_slice %arg4[%add3A_69] : memref<327680xi32, #tpu.memory_space<hbm>> -> memref<1280xi32, #tpu.memory_space<hbm>>
        %dma_start3A_93 = tpu.memref_slice %arg4[%add3A_69] : memref<327680xi32, #tpu.memory_space<hbm>> -> memref<1280xi32, #tpu.memory_space<hbm>>
        tpu.enqueue_dma source(%dma_start3A_93 : memref<1280xi32, #tpu.memory_space<hbm>>) target(%arg10 : memref<1280xi32, #tpu.memory_space<vmem>>) target_semaphore(%run_scoped3A : memref<!tpu.dma_semaphore, #tpu.memory_space<semaphore_mem>>)
        %dma_wait3A_94 = tpu.memref_slice %arg4[%add3A_69] : memref<327680xi32, #tpu.memory_space<hbm>> -> memref<1280xi32, #tpu.memory_space<hbm>>
        %dma_wait3A_95 = tpu.memref_slice %arg4[%add3A_69] : memref<327680xi32, #tpu.memory_space<hbm>> -> memref<1280xi32, #tpu.memory_space<hbm>>
        tpu.wait_dma2 semaphore(%run_scoped3A : memref<!tpu.dma_semaphore, #tpu.memory_space<semaphore_mem>>) src(%dma_wait3A_95 : memref<1280xi32, #tpu.memory_space<hbm>>) dst(%arg10 : memref<1280xi32, #tpu.memory_space<vmem>>)
        tpu.yield
      }) : () -> ()
      %scan3A_70 = arith.constant 0 : i32
      %scan3A_71 = arith.constant 0 : i32
      %scan3A_72 = arith.constant 5 : i32
      %scan3A_73 = arith.addi %scan3A_71, %scan3A_72 : i32
      %scan3A_74 = arith.constant 1 : i32
      %scan3A_75 = scf.for %scan3A_92 = %scan3A_71 to %scan3A_73 step %scan3A_74 iter_args(%scan3A_93 = %scan3A_70) -> (i32)  : i32 {
        %mul3A_94 = arith.constant 2 : i32
        %mul3A_95 = arith.muli %scan3A_92, %mul3A_94 : i32
        %add3A_96 = arith.constant 0 : i32
        %add3A_97 = arith.addi %mul3A_95, %add3A_96 : i32
        %mul3A_98 = arith.constant 128 : i32
        %mul3A_99 = arith.muli %add3A_97, %mul3A_98 : i32
        %dma_wait3A_100 = arith.constant 0 : i32
        %dma_wait3A_101 = arith.constant 0 : i32
        %dma_wait3A_102 = tpu.memref_slice %arg8[%dma_wait3A_100, %dma_wait3A_101] : memref<256x128xf32, #tpu.memory_space<vmem>> -> memref<128x128xf32, #tpu.memory_space<vmem>>
        %dma_wait3A_103 = tpu.memref_slice %arg9[%mul3A_99] : memref<1280xi32, #tpu.memory_space<vmem>> -> memref<128xi32, #tpu.memory_space<vmem>>
        %dma_wait3A_104 = arith.constant 0 : i32
        %dma_wait3A_105 = arith.constant 0 : i32
        %dma_wait3A_106 = tpu.memref_slice %arg7[%dma_wait3A_104, %dma_wait3A_105] : memref<10240x128xf32, #tpu.memory_space<vmem_shared>> -> memref<10240x128xf32, #tpu.memory_space<vmem_shared>>
        tpu.wait_indirect_dma semaphore(%arg15 : memref<!tpu.dma_semaphore, #tpu.memory_space<semaphore_mem>>) src(%dma_wait3A_102 : memref<128x128xf32, #tpu.memory_space<vmem>>) dst(%dma_wait3A_106 : memref<10240x128xf32, #tpu.memory_space<vmem_shared>>)
        %dma_start3A_107 = arith.constant 0 : i32
        %dma_start3A_108 = arith.constant 0 : i32
        %dma_start3A_109 = tpu.memref_slice %arg8[%dma_start3A_107, %dma_start3A_108] : memref<256x128xf32, #tpu.memory_space<vmem>> -> memref<128x128xf32, #tpu.memory_space<vmem>>
        %dma_start3A_110 = tpu.memref_slice %arg10[%mul3A_99] : memref<1280xi32, #tpu.memory_space<vmem>> -> memref<128xi32, #tpu.memory_space<vmem>>
        %dma_start3A_111 = arith.constant 0 : i32
        %dma_start3A_112 = arith.constant 0 : i32
        %dma_start3A_113 = tpu.memref_slice %arg2[%dma_start3A_111, %dma_start3A_112] : memref<10000x128xf32, #tpu.memory_space<hbm>> -> memref<10000x128xf32, #tpu.memory_space<hbm>>
        tpu.enqueue_indirect_dma source(%dma_start3A_113 : memref<10000x128xf32, #tpu.memory_space<hbm>>) target(%dma_start3A_109 : memref<128x128xf32, #tpu.memory_space<vmem>>) offsets(%dma_start3A_110 : memref<128xi32, #tpu.memory_space<vmem>>) semaphore(%arg13 : memref<!tpu.dma_semaphore, #tpu.memory_space<semaphore_mem>>)
        %mul3A_114 = arith.constant 2 : i32
        %mul3A_115 = arith.muli %scan3A_92, %mul3A_114 : i32
        %add3A_116 = arith.constant 1 : i32
        %add3A_117 = arith.addi %mul3A_115, %add3A_116 : i32
        %mul3A_118 = arith.constant 128 : i32
        %mul3A_119 = arith.muli %add3A_117, %mul3A_118 : i32
        %dma_wait3A_120 = arith.constant 128 : i32
        %dma_wait3A_121 = arith.constant 0 : i32
        %dma_wait3A_122 = tpu.memref_slice %arg8[%dma_wait3A_120, %dma_wait3A_121] : memref<256x128xf32, #tpu.memory_space<vmem>> -> memref<128x128xf32, #tpu.memory_space<vmem>>
        %dma_wait3A_123 = tpu.memref_slice %arg9[%mul3A_119] : memref<1280xi32, #tpu.memory_space<vmem>> -> memref<128xi32, #tpu.memory_space<vmem>>
        %dma_wait3A_124 = arith.constant 0 : i32
        %dma_wait3A_125 = arith.constant 0 : i32
        %dma_wait3A_126 = tpu.memref_slice %arg7[%dma_wait3A_124, %dma_wait3A_125] : memref<10240x128xf32, #tpu.memory_space<vmem_shared>> -> memref<10240x128xf32, #tpu.memory_space<vmem_shared>>
        tpu.wait_indirect_dma semaphore(%arg16 : memref<!tpu.dma_semaphore, #tpu.memory_space<semaphore_mem>>) src(%dma_wait3A_122 : memref<128x128xf32, #tpu.memory_space<vmem>>) dst(%dma_wait3A_126 : memref<10240x128xf32, #tpu.memory_space<vmem_shared>>)
        %dma_start3A_127 = arith.constant 128 : i32
        %dma_start3A_128 = arith.constant 0 : i32
        %dma_start3A_129 = tpu.memref_slice %arg8[%dma_start3A_127, %dma_start3A_128] : memref<256x128xf32, #tpu.memory_space<vmem>> -> memref<128x128xf32, #tpu.memory_space<vmem>>
        %dma_start3A_130 = tpu.memref_slice %arg10[%mul3A_119] : memref<1280xi32, #tpu.memory_space<vmem>> -> memref<128xi32, #tpu.memory_space<vmem>>
        %dma_start3A_131 = arith.constant 0 : i32
        %dma_start3A_132 = arith.constant 0 : i32
        %dma_start3A_133 = tpu.memref_slice %arg2[%dma_start3A_131, %dma_start3A_132] : memref<10000x128xf32, #tpu.memory_space<hbm>> -> memref<10000x128xf32, #tpu.memory_space<hbm>>
        tpu.enqueue_indirect_dma source(%dma_start3A_133 : memref<10000x128xf32, #tpu.memory_space<hbm>>) target(%dma_start3A_129 : memref<128x128xf32, #tpu.memory_space<vmem>>) offsets(%dma_start3A_130 : memref<128xi32, #tpu.memory_space<vmem>>) semaphore(%arg14 : memref<!tpu.dma_semaphore, #tpu.memory_space<semaphore_mem>>)
        %mul3A_134 = arith.constant 2 : i32
        %mul3A_135 = arith.muli %scan3A_92, %mul3A_134 : i32
        %add3A_136 = arith.constant 0 : i32
        %add3A_137 = arith.addi %mul3A_135, %add3A_136 : i32
        %mul3A_138 = arith.constant 128 : i32
        %mul3A_139 = arith.muli %add3A_137, %mul3A_138 : i32
        %dma_wait3A_140 = arith.constant 0 : i32
        %dma_wait3A_141 = arith.constant 0 : i32
        %dma_wait3A_142 = tpu.memref_slice %arg8[%dma_wait3A_140, %dma_wait3A_141] : memref<256x128xf32, #tpu.memory_space<vmem>> -> memref<128x128xf32, #tpu.memory_space<vmem>>
        %dma_wait3A_143 = tpu.memref_slice %arg10[%mul3A_99] : memref<1280xi32, #tpu.memory_space<vmem>> -> memref<128xi32, #tpu.memory_space<vmem>>
        %dma_wait3A_144 = arith.constant 0 : i32
        %dma_wait3A_145 = arith.constant 0 : i32
        %dma_wait3A_146 = tpu.memref_slice %arg2[%dma_wait3A_144, %dma_wait3A_145] : memref<10000x128xf32, #tpu.memory_space<hbm>> -> memref<10000x128xf32, #tpu.memory_space<hbm>>
        tpu.wait_indirect_dma semaphore(%arg13 : memref<!tpu.dma_semaphore, #tpu.memory_space<semaphore_mem>>) src(%dma_wait3A_146 : memref<10000x128xf32, #tpu.memory_space<hbm>>) dst(%dma_wait3A_142 : memref<128x128xf32, #tpu.memory_space<vmem>>)
        %dma_start3A_147 = arith.constant 0 : i32
        %dma_start3A_148 = arith.constant 0 : i32
        %dma_start3A_149 = tpu.memref_slice %arg8[%dma_start3A_147, %dma_start3A_148] : memref<256x128xf32, #tpu.memory_space<vmem>> -> memref<128x128xf32, #tpu.memory_space<vmem>>
        %dma_start3A_150 = tpu.memref_slice %arg9[%mul3A_139] : memref<1280xi32, #tpu.memory_space<vmem>> -> memref<128xi32, #tpu.memory_space<vmem>>
        %dma_start3A_151 = arith.constant 0 : i32
        %dma_start3A_152 = arith.constant 0 : i32
        %dma_start3A_153 = tpu.memref_slice %arg7[%dma_start3A_151, %dma_start3A_152] : memref<10240x128xf32, #tpu.memory_space<vmem_shared>> -> memref<10240x128xf32, #tpu.memory_space<vmem_shared>>
        tpu.enqueue_indirect_dma source(%dma_start3A_149 : memref<128x128xf32, #tpu.memory_space<vmem>>) target(%dma_start3A_153 : memref<10240x128xf32, #tpu.memory_space<vmem_shared>>) offsets(%dma_start3A_150 : memref<128xi32, #tpu.memory_space<vmem>>) semaphore(%arg15 : memref<!tpu.dma_semaphore, #tpu.memory_space<semaphore_mem>>) {add = true}
        %mul3A_154 = arith.constant 2 : i32
        %mul3A_155 = arith.muli %scan3A_92, %mul3A_154 : i32
        %add3A_156 = arith.constant 1 : i32
        %add3A_157 = arith.addi %mul3A_155, %add3A_156 : i32
        %mul3A_158 = arith.constant 128 : i32
        %mul3A_159 = arith.muli %add3A_157, %mul3A_158 : i32
        %dma_wait3A_160 = arith.constant 128 : i32
        %dma_wait3A_161 = arith.constant 0 : i32
        %dma_wait3A_162 = tpu.memref_slice %arg8[%dma_wait3A_160, %dma_wait3A_161] : memref<256x128xf32, #tpu.memory_space<vmem>> -> memref<128x128xf32, #tpu.memory_space<vmem>>
        %dma_wait3A_163 = tpu.memref_slice %arg10[%mul3A_119] : memref<1280xi32, #tpu.memory_space<vmem>> -> memref<128xi32, #tpu.memory_space<vmem>>
        %dma_wait3A_164 = arith.constant 0 : i32
        %dma_wait3A_165 = arith.constant 0 : i32
        %dma_wait3A_166 = tpu.memref_slice %arg2[%dma_wait3A_164, %dma_wait3A_165] : memref<10000x128xf32, #tpu.memory_space<hbm>> -> memref<10000x128xf32, #tpu.memory_space<hbm>>
        tpu.wait_indirect_dma semaphore(%arg14 : memref<!tpu.dma_semaphore, #tpu.memory_space<semaphore_mem>>) src(%dma_wait3A_166 : memref<10000x128xf32, #tpu.memory_space<hbm>>) dst(%dma_wait3A_162 : memref<128x128xf32, #tpu.memory_space<vmem>>)
        %dma_start3A_167 = arith.constant 128 : i32
        %dma_start3A_168 = arith.constant 0 : i32
        %dma_start3A_169 = tpu.memref_slice %arg8[%dma_start3A_167, %dma_start3A_168] : memref<256x128xf32, #tpu.memory_space<vmem>> -> memref<128x128xf32, #tpu.memory_space<vmem>>
        %dma_start3A_170 = tpu.memref_slice %arg9[%mul3A_159] : memref<1280xi32, #tpu.memory_space<vmem>> -> memref<128xi32, #tpu.memory_space<vmem>>
        %dma_start3A_171 = arith.constant 0 : i32
        %dma_start3A_172 = arith.constant 0 : i32
        %dma_start3A_173 = tpu.memref_slice %arg7[%dma_start3A_171, %dma_start3A_172] : memref<10240x128xf32, #tpu.memory_space<vmem_shared>> -> memref<10240x128xf32, #tpu.memory_space<vmem_shared>>
        tpu.enqueue_indirect_dma source(%dma_start3A_169 : memref<128x128xf32, #tpu.memory_space<vmem>>) target(%dma_start3A_173 : memref<10240x128xf32, #tpu.memory_space<vmem_shared>>) offsets(%dma_start3A_170 : memref<128xi32, #tpu.memory_space<vmem>>) semaphore(%arg16 : memref<!tpu.dma_semaphore, #tpu.memory_space<semaphore_mem>>) {add = true}
        %scan3A_174 = arith.constant 0 : i32
        scf.yield %scan3A_174 : i32
      }
      %scan3A_76 = arith.constant 5 : i32
      %mul3A_77 = arith.constant 2 : i32
      %mul3A_78 = arith.muli %scan3A_61, %mul3A_77 : i32
      %add3A_79 = arith.constant 1 : i32
      %add3A_80 = arith.addi %mul3A_78, %add3A_79 : i32
      %mul3A_81 = arith.constant 1280 : i32
      %mul3A_82 = arith.muli %add3A_80, %mul3A_81 : i32
      %add3A_83 = arith.addi %mul3A_2, %mul3A_82 : i32
      "tpu.region"() ({
        %run_scoped3A = tpu.sem_alloc : memref<!tpu.dma_semaphore, #tpu.memory_space<semaphore_mem>>
        %dma_start3A_92 = tpu.memref_slice %arg3[%add3A_83] : memref<327680xi32, #tpu.memory_space<hbm>> -> memref<1280xi32, #tpu.memory_space<hbm>>
        %dma_start3A_93 = tpu.memref_slice %arg3[%add3A_83] : memref<327680xi32, #tpu.memory_space<hbm>> -> memref<1280xi32, #tpu.memory_space<hbm>>
        tpu.enqueue_dma source(%dma_start3A_93 : memref<1280xi32, #tpu.memory_space<hbm>>) target(%arg11 : memref<1280xi32, #tpu.memory_space<vmem>>) target_semaphore(%run_scoped3A : memref<!tpu.dma_semaphore, #tpu.memory_space<semaphore_mem>>)
        %dma_wait3A_94 = tpu.memref_slice %arg3[%add3A_83] : memref<327680xi32, #tpu.memory_space<hbm>> -> memref<1280xi32, #tpu.memory_space<hbm>>
        %dma_wait3A_95 = tpu.memref_slice %arg3[%add3A_83] : memref<327680xi32, #tpu.memory_space<hbm>> -> memref<1280xi32, #tpu.memory_space<hbm>>
        tpu.wait_dma2 semaphore(%run_scoped3A : memref<!tpu.dma_semaphore, #tpu.memory_space<semaphore_mem>>) src(%dma_wait3A_95 : memref<1280xi32, #tpu.memory_space<hbm>>) dst(%arg11 : memref<1280xi32, #tpu.memory_space<vmem>>)
        tpu.yield
      }) : () -> ()
      "tpu.region"() ({
        %run_scoped3A = tpu.sem_alloc : memref<!tpu.dma_semaphore, #tpu.memory_space<semaphore_mem>>
        %dma_start3A_92 = tpu.memref_slice %arg4[%add3A_83] : memref<327680xi32, #tpu.memory_space<hbm>> -> memref<1280xi32, #tpu.memory_space<hbm>>
        %dma_start3A_93 = tpu.memref_slice %arg4[%add3A_83] : memref<327680xi32, #tpu.memory_space<hbm>> -> memref<1280xi32, #tpu.memory_space<hbm>>
        tpu.enqueue_dma source(%dma_start3A_93 : memref<1280xi32, #tpu.memory_space<hbm>>) target(%arg12 : memref<1280xi32, #tpu.memory_space<vmem>>) target_semaphore(%run_scoped3A : memref<!tpu.dma_semaphore, #tpu.memory_space<semaphore_mem>>)
        %dma_wait3A_94 = tpu.memref_slice %arg4[%add3A_83] : memref<327680xi32, #tpu.memory_space<hbm>> -> memref<1280xi32, #tpu.memory_space<hbm>>
        %dma_wait3A_95 = tpu.memref_slice %arg4[%add3A_83] : memref<327680xi32, #tpu.memory_space<hbm>> -> memref<1280xi32, #tpu.memory_space<hbm>>
        tpu.wait_dma2 semaphore(%run_scoped3A : memref<!tpu.dma_semaphore, #tpu.memory_space<semaphore_mem>>) src(%dma_wait3A_95 : memref<1280xi32, #tpu.memory_space<hbm>>) dst(%arg12 : memref<1280xi32, #tpu.memory_space<vmem>>)
        tpu.yield
      }) : () -> ()
      %scan3A_84 = arith.constant 0 : i32
      %scan3A_85 = arith.constant 0 : i32
      %scan3A_86 = arith.constant 5 : i32
      %scan3A_87 = arith.addi %scan3A_85, %scan3A_86 : i32
      %scan3A_88 = arith.constant 1 : i32
      %scan3A_89 = scf.for %scan3A_92 = %scan3A_85 to %scan3A_87 step %scan3A_88 iter_args(%scan3A_93 = %scan3A_84) -> (i32)  : i32 {
        %mul3A_94 = arith.constant 2 : i32
        %mul3A_95 = arith.muli %scan3A_92, %mul3A_94 : i32
        %add3A_96 = arith.constant 0 : i32
        %add3A_97 = arith.addi %mul3A_95, %add3A_96 : i32
        %mul3A_98 = arith.constant 128 : i32
        %mul3A_99 = arith.muli %add3A_97, %mul3A_98 : i32
        %dma_wait3A_100 = arith.constant 0 : i32
        %dma_wait3A_101 = arith.constant 0 : i32
        %dma_wait3A_102 = tpu.memref_slice %arg8[%dma_wait3A_100, %dma_wait3A_101] : memref<256x128xf32, #tpu.memory_space<vmem>> -> memref<128x128xf32, #tpu.memory_space<vmem>>
        %dma_wait3A_103 = tpu.memref_slice %arg11[%mul3A_99] : memref<1280xi32, #tpu.memory_space<vmem>> -> memref<128xi32, #tpu.memory_space<vmem>>
        %dma_wait3A_104 = arith.constant 0 : i32
        %dma_wait3A_105 = arith.constant 0 : i32
        %dma_wait3A_106 = tpu.memref_slice %arg7[%dma_wait3A_104, %dma_wait3A_105] : memref<10240x128xf32, #tpu.memory_space<vmem_shared>> -> memref<10240x128xf32, #tpu.memory_space<vmem_shared>>
        tpu.wait_indirect_dma semaphore(%arg15 : memref<!tpu.dma_semaphore, #tpu.memory_space<semaphore_mem>>) src(%dma_wait3A_102 : memref<128x128xf32, #tpu.memory_space<vmem>>) dst(%dma_wait3A_106 : memref<10240x128xf32, #tpu.memory_space<vmem_shared>>)
        %dma_start3A_107 = arith.constant 0 : i32
        %dma_start3A_108 = arith.constant 0 : i32
        %dma_start3A_109 = tpu.memref_slice %arg8[%dma_start3A_107, %dma_start3A_108] : memref<256x128xf32, #tpu.memory_space<vmem>> -> memref<128x128xf32, #tpu.memory_space<vmem>>
        %dma_start3A_110 = tpu.memref_slice %arg12[%mul3A_99] : memref<1280xi32, #tpu.memory_space<vmem>> -> memref<128xi32, #tpu.memory_space<vmem>>
        %dma_start3A_111 = arith.constant 0 : i32
        %dma_start3A_112 = arith.constant 0 : i32
        %dma_start3A_113 = tpu.memref_slice %arg2[%dma_start3A_111, %dma_start3A_112] : memref<10000x128xf32, #tpu.memory_space<hbm>> -> memref<10000x128xf32, #tpu.memory_space<hbm>>
        tpu.enqueue_indirect_dma source(%dma_start3A_113 : memref<10000x128xf32, #tpu.memory_space<hbm>>) target(%dma_start3A_109 : memref<128x128xf32, #tpu.memory_space<vmem>>) offsets(%dma_start3A_110 : memref<128xi32, #tpu.memory_space<vmem>>) semaphore(%arg13 : memref<!tpu.dma_semaphore, #tpu.memory_space<semaphore_mem>>)
        %mul3A_114 = arith.constant 2 : i32
        %mul3A_115 = arith.muli %scan3A_92, %mul3A_114 : i32
        %add3A_116 = arith.constant 1 : i32
        %add3A_117 = arith.addi %mul3A_115, %add3A_116 : i32
        %mul3A_118 = arith.constant 128 : i32
        %mul3A_119 = arith.muli %add3A_117, %mul3A_118 : i32
        %dma_wait3A_120 = arith.constant 128 : i32
        %dma_wait3A_121 = arith.constant 0 : i32
        %dma_wait3A_122 = tpu.memref_slice %arg8[%dma_wait3A_120, %dma_wait3A_121] : memref<256x128xf32, #tpu.memory_space<vmem>> -> memref<128x128xf32, #tpu.memory_space<vmem>>
        %dma_wait3A_123 = tpu.memref_slice %arg11[%mul3A_119] : memref<1280xi32, #tpu.memory_space<vmem>> -> memref<128xi32, #tpu.memory_space<vmem>>
        %dma_wait3A_124 = arith.constant 0 : i32
        %dma_wait3A_125 = arith.constant 0 : i32
        %dma_wait3A_126 = tpu.memref_slice %arg7[%dma_wait3A_124, %dma_wait3A_125] : memref<10240x128xf32, #tpu.memory_space<vmem_shared>> -> memref<10240x128xf32, #tpu.memory_space<vmem_shared>>
        tpu.wait_indirect_dma semaphore(%arg16 : memref<!tpu.dma_semaphore, #tpu.memory_space<semaphore_mem>>) src(%dma_wait3A_122 : memref<128x128xf32, #tpu.memory_space<vmem>>) dst(%dma_wait3A_126 : memref<10240x128xf32, #tpu.memory_space<vmem_shared>>)
        %dma_start3A_127 = arith.constant 128 : i32
        %dma_start3A_128 = arith.constant 0 : i32
        %dma_start3A_129 = tpu.memref_slice %arg8[%dma_start3A_127, %dma_start3A_128] : memref<256x128xf32, #tpu.memory_space<vmem>> -> memref<128x128xf32, #tpu.memory_space<vmem>>
        %dma_start3A_130 = tpu.memref_slice %arg12[%mul3A_119] : memref<1280xi32, #tpu.memory_space<vmem>> -> memref<128xi32, #tpu.memory_space<vmem>>
        %dma_start3A_131 = arith.constant 0 : i32
        %dma_start3A_132 = arith.constant 0 : i32
        %dma_start3A_133 = tpu.memref_slice %arg2[%dma_start3A_131, %dma_start3A_132] : memref<10000x128xf32, #tpu.memory_space<hbm>> -> memref<10000x128xf32, #tpu.memory_space<hbm>>
        tpu.enqueue_indirect_dma source(%dma_start3A_133 : memref<10000x128xf32, #tpu.memory_space<hbm>>) target(%dma_start3A_129 : memref<128x128xf32, #tpu.memory_space<vmem>>) offsets(%dma_start3A_130 : memref<128xi32, #tpu.memory_space<vmem>>) semaphore(%arg14 : memref<!tpu.dma_semaphore, #tpu.memory_space<semaphore_mem>>)
        %mul3A_134 = arith.constant 2 : i32
        %mul3A_135 = arith.muli %scan3A_92, %mul3A_134 : i32
        %add3A_136 = arith.constant 0 : i32
        %add3A_137 = arith.addi %mul3A_135, %add3A_136 : i32
        %mul3A_138 = arith.constant 128 : i32
        %mul3A_139 = arith.muli %add3A_137, %mul3A_138 : i32
        %dma_wait3A_140 = arith.constant 0 : i32
        %dma_wait3A_141 = arith.constant 0 : i32
        %dma_wait3A_142 = tpu.memref_slice %arg8[%dma_wait3A_140, %dma_wait3A_141] : memref<256x128xf32, #tpu.memory_space<vmem>> -> memref<128x128xf32, #tpu.memory_space<vmem>>
        %dma_wait3A_143 = tpu.memref_slice %arg12[%mul3A_99] : memref<1280xi32, #tpu.memory_space<vmem>> -> memref<128xi32, #tpu.memory_space<vmem>>
        %dma_wait3A_144 = arith.constant 0 : i32
        %dma_wait3A_145 = arith.constant 0 : i32
        %dma_wait3A_146 = tpu.memref_slice %arg2[%dma_wait3A_144, %dma_wait3A_145] : memref<10000x128xf32, #tpu.memory_space<hbm>> -> memref<10000x128xf32, #tpu.memory_space<hbm>>
        tpu.wait_indirect_dma semaphore(%arg13 : memref<!tpu.dma_semaphore, #tpu.memory_space<semaphore_mem>>) src(%dma_wait3A_146 : memref<10000x128xf32, #tpu.memory_space<hbm>>) dst(%dma_wait3A_142 : memref<128x128xf32, #tpu.memory_space<vmem>>)
        %dma_start3A_147 = arith.constant 0 : i32
        %dma_start3A_148 = arith.constant 0 : i32
        %dma_start3A_149 = tpu.memref_slice %arg8[%dma_start3A_147, %dma_start3A_148] : memref<256x128xf32, #tpu.memory_space<vmem>> -> memref<128x128xf32, #tpu.memory_space<vmem>>
        %dma_start3A_150 = tpu.memref_slice %arg11[%mul3A_139] : memref<1280xi32, #tpu.memory_space<vmem>> -> memref<128xi32, #tpu.memory_space<vmem>>
        %dma_start3A_151 = arith.constant 0 : i32
        %dma_start3A_152 = arith.constant 0 : i32
        %dma_start3A_153 = tpu.memref_slice %arg7[%dma_start3A_151, %dma_start3A_152] : memref<10240x128xf32, #tpu.memory_space<vmem_shared>> -> memref<10240x128xf32, #tpu.memory_space<vmem_shared>>
        tpu.enqueue_indirect_dma source(%dma_start3A_149 : memref<128x128xf32, #tpu.memory_space<vmem>>) target(%dma_start3A_153 : memref<10240x128xf32, #tpu.memory_space<vmem_shared>>) offsets(%dma_start3A_150 : memref<128xi32, #tpu.memory_space<vmem>>) semaphore(%arg15 : memref<!tpu.dma_semaphore, #tpu.memory_space<semaphore_mem>>) {add = true}
        %mul3A_154 = arith.constant 2 : i32
        %mul3A_155 = arith.muli %scan3A_92, %mul3A_154 : i32
        %add3A_156 = arith.constant 1 : i32
        %add3A_157 = arith.addi %mul3A_155, %add3A_156 : i32
        %mul3A_158 = arith.constant 128 : i32
        %mul3A_159 = arith.muli %add3A_157, %mul3A_158 : i32
        %dma_wait3A_160 = arith.constant 128 : i32
        %dma_wait3A_161 = arith.constant 0 : i32
        %dma_wait3A_162 = tpu.memref_slice %arg8[%dma_wait3A_160, %dma_wait3A_161] : memref<256x128xf32, #tpu.memory_space<vmem>> -> memref<128x128xf32, #tpu.memory_space<vmem>>
        %dma_wait3A_163 = tpu.memref_slice %arg12[%mul3A_119] : memref<1280xi32, #tpu.memory_space<vmem>> -> memref<128xi32, #tpu.memory_space<vmem>>
        %dma_wait3A_164 = arith.constant 0 : i32
        %dma_wait3A_165 = arith.constant 0 : i32
        %dma_wait3A_166 = tpu.memref_slice %arg2[%dma_wait3A_164, %dma_wait3A_165] : memref<10000x128xf32, #tpu.memory_space<hbm>> -> memref<10000x128xf32, #tpu.memory_space<hbm>>
        tpu.wait_indirect_dma semaphore(%arg14 : memref<!tpu.dma_semaphore, #tpu.memory_space<semaphore_mem>>) src(%dma_wait3A_166 : memref<10000x128xf32, #tpu.memory_space<hbm>>) dst(%dma_wait3A_162 : memref<128x128xf32, #tpu.memory_space<vmem>>)
        %dma_start3A_167 = arith.constant 128 : i32
        %dma_start3A_168 = arith.constant 0 : i32
        %dma_start3A_169 = tpu.memref_slice %arg8[%dma_start3A_167, %dma_start3A_168] : memref<256x128xf32, #tpu.memory_space<vmem>> -> memref<128x128xf32, #tpu.memory_space<vmem>>
        %dma_start3A_170 = tpu.memref_slice %arg11[%mul3A_159] : memref<1280xi32, #tpu.memory_space<vmem>> -> memref<128xi32, #tpu.memory_space<vmem>>
        %dma_start3A_171 = arith.constant 0 : i32
        %dma_start3A_172 = arith.constant 0 : i32
        %dma_start3A_173 = tpu.memref_slice %arg7[%dma_start3A_171, %dma_start3A_172] : memref<10240x128xf32, #tpu.memory_space<vmem_shared>> -> memref<10240x128xf32, #tpu.memory_space<vmem_shared>>
        tpu.enqueue_indirect_dma source(%dma_start3A_169 : memref<128x128xf32, #tpu.memory_space<vmem>>) target(%dma_start3A_173 : memref<10240x128xf32, #tpu.memory_space<vmem_shared>>) offsets(%dma_start3A_170 : memref<128xi32, #tpu.memory_space<vmem>>) semaphore(%arg16 : memref<!tpu.dma_semaphore, #tpu.memory_space<semaphore_mem>>) {add = true}
        %scan3A_174 = arith.constant 0 : i32
        scf.yield %scan3A_174 : i32
      }
      %scan3A_90 = arith.constant 5 : i32
      %scan3A_91 = arith.constant 0 : i32
      scf.yield %scan3A_91 : i32
    }
    %scan3A_37 = arith.constant 4 : i32
    %dma_wait3A = arith.constant 0 : i32
    %dma_wait3A_38 = arith.constant 0 : i32
    %dma_wait3A_39 = tpu.memref_slice %arg8[%dma_wait3A, %dma_wait3A_38] : memref<256x128xf32, #tpu.memory_space<vmem>> -> memref<128x128xf32, #tpu.memory_space<vmem>>
    %dma_wait3A_40 = arith.constant 0 : i32
    %dma_wait3A_41 = tpu.memref_slice %arg11[%dma_wait3A_40] : memref<1280xi32, #tpu.memory_space<vmem>> -> memref<128xi32, #tpu.memory_space<vmem>>
    %dma_wait3A_42 = arith.constant 0 : i32
    %dma_wait3A_43 = arith.constant 0 : i32
    %dma_wait3A_44 = tpu.memref_slice %arg7[%dma_wait3A_42, %dma_wait3A_43] : memref<10240x128xf32, #tpu.memory_space<vmem_shared>> -> memref<10240x128xf32, #tpu.memory_space<vmem_shared>>
    tpu.wait_indirect_dma semaphore(%arg15 : memref<!tpu.dma_semaphore, #tpu.memory_space<semaphore_mem>>) src(%dma_wait3A_39 : memref<128x128xf32, #tpu.memory_space<vmem>>) dst(%dma_wait3A_44 : memref<10240x128xf32, #tpu.memory_space<vmem_shared>>)
    %dma_wait3A_45 = arith.constant 128 : i32
    %dma_wait3A_46 = arith.constant 0 : i32
    %dma_wait3A_47 = tpu.memref_slice %arg8[%dma_wait3A_45, %dma_wait3A_46] : memref<256x128xf32, #tpu.memory_space<vmem>> -> memref<128x128xf32, #tpu.memory_space<vmem>>
    %dma_wait3A_48 = arith.constant 128 : i32
    %dma_wait3A_49 = tpu.memref_slice %arg11[%dma_wait3A_48] : memref<1280xi32, #tpu.memory_space<vmem>> -> memref<128xi32, #tpu.memory_space<vmem>>
    %dma_wait3A_50 = arith.constant 0 : i32
    %dma_wait3A_51 = arith.constant 0 : i32
    %dma_wait3A_52 = tpu.memref_slice %arg7[%dma_wait3A_50, %dma_wait3A_51] : memref<10240x128xf32, #tpu.memory_space<vmem_shared>> -> memref<10240x128xf32, #tpu.memory_space<vmem_shared>>
    tpu.wait_indirect_dma semaphore(%arg16 : memref<!tpu.dma_semaphore, #tpu.memory_space<semaphore_mem>>) src(%dma_wait3A_47 : memref<128x128xf32, #tpu.memory_space<vmem>>) dst(%dma_wait3A_52 : memref<10240x128xf32, #tpu.memory_space<vmem_shared>>)
    %barrier3A_53 = arith.constant 0 : index
    tpu.barrier barrier_id(%barrier3A_53)
    %eq3A = arith.constant 0 : i32
    %eq3A_54 = arith.cmpi eq, %arg0, %eq3A : i32
    %convert_element_type3A = arith.extui %eq3A_54 : i1 to i32
    %cond3A = arith.constant 0 : i32
    %cond3A_55 = arith.cmpi ne, %convert_element_type3A, %cond3A : i32
    scf.if %cond3A_55 {
      %mul3A_61 = arith.constant 640 : i32
      %mul3A_62 = arith.muli %arg1, %mul3A_61 : i32
      %mul3A_63 = arith.constant 640 : i32
      %mul3A_64 = arith.muli %arg1, %mul3A_63 : i32
      "tpu.region"() ({
        %run_scoped3A = tpu.sem_alloc : memref<!tpu.dma_semaphore, #tpu.memory_space<semaphore_mem>>
        %dma_start3A_65 = arith.constant 0 : i32
        %dma_start3A_66 = tpu.memref_slice %arg5[%mul3A_64, %dma_start3A_65] : memref<10240x128xf32, #tpu.memory_space<hbm>> -> memref<640x128xf32, #tpu.memory_space<hbm>>
        %dma_start3A_67 = arith.constant 0 : i32
        %dma_start3A_68 = tpu.memref_slice %arg7[%mul3A_62, %dma_start3A_67] : memref<10240x128xf32, #tpu.memory_space<vmem_shared>> -> memref<640x128xf32, #tpu.memory_space<vmem_shared>>
        tpu.enqueue_dma source(%dma_start3A_68 : memref<640x128xf32, #tpu.memory_space<vmem_shared>>) target(%dma_start3A_66 : memref<640x128xf32, #tpu.memory_space<hbm>>) target_semaphore(%run_scoped3A : memref<!tpu.dma_semaphore, #tpu.memory_space<semaphore_mem>>)
        %dma_wait3A_69 = arith.constant 0 : i32
        %dma_wait3A_70 = tpu.memref_slice %arg5[%mul3A_64, %dma_wait3A_69] : memref<10240x128xf32, #tpu.memory_space<hbm>> -> memref<640x128xf32, #tpu.memory_space<hbm>>
        %dma_wait3A_71 = arith.constant 0 : i32
        %dma_wait3A_72 = tpu.memref_slice %arg7[%mul3A_62, %dma_wait3A_71] : memref<10240x128xf32, #tpu.memory_space<vmem_shared>> -> memref<640x128xf32, #tpu.memory_space<vmem_shared>>
        tpu.wait_dma2 semaphore(%run_scoped3A : memref<!tpu.dma_semaphore, #tpu.memory_space<semaphore_mem>>) src(%dma_wait3A_72 : memref<640x128xf32, #tpu.memory_space<vmem_shared>>) dst(%dma_wait3A_70 : memref<640x128xf32, #tpu.memory_space<hbm>>)
        tpu.yield
      }) : () -> ()
    } else {
    }
    %eq3A_56 = arith.constant 1 : i32
    %eq3A_57 = arith.cmpi eq, %arg0, %eq3A_56 : i32
    %convert_element_type3A_58 = arith.extui %eq3A_57 : i1 to i32
    %cond3A_59 = arith.constant 0 : i32
    %cond3A_60 = arith.cmpi ne, %convert_element_type3A_58, %cond3A_59 : i32
    scf.if %cond3A_60 {
      %mul3A_61 = arith.constant 640 : i32
      %mul3A_62 = arith.muli %arg1, %mul3A_61 : i32
      %mul3A_63 = arith.constant 640 : i32
      %mul3A_64 = arith.muli %arg1, %mul3A_63 : i32
      "tpu.region"() ({
        %run_scoped3A = tpu.sem_alloc : memref<!tpu.dma_semaphore, #tpu.memory_space<semaphore_mem>>
        %dma_start3A_65 = arith.constant 0 : i32
        %dma_start3A_66 = tpu.memref_slice %arg6[%mul3A_64, %dma_start3A_65] : memref<10240x128xf32, #tpu.memory_space<hbm>> -> memref<640x128xf32, #tpu.memory_space<hbm>>
        %dma_start3A_67 = arith.constant 0 : i32
        %dma_start3A_68 = tpu.memref_slice %arg7[%mul3A_62, %dma_start3A_67] : memref<10240x128xf32, #tpu.memory_space<vmem_shared>> -> memref<640x128xf32, #tpu.memory_space<vmem_shared>>
        tpu.enqueue_dma source(%dma_start3A_68 : memref<640x128xf32, #tpu.memory_space<vmem_shared>>) target(%dma_start3A_66 : memref<640x128xf32, #tpu.memory_space<hbm>>) target_semaphore(%run_scoped3A : memref<!tpu.dma_semaphore, #tpu.memory_space<semaphore_mem>>)
        %dma_wait3A_69 = arith.constant 0 : i32
        %dma_wait3A_70 = tpu.memref_slice %arg6[%mul3A_64, %dma_wait3A_69] : memref<10240x128xf32, #tpu.memory_space<hbm>> -> memref<640x128xf32, #tpu.memory_space<hbm>>
        %dma_wait3A_71 = arith.constant 0 : i32
        %dma_wait3A_72 = tpu.memref_slice %arg7[%mul3A_62, %dma_wait3A_71] : memref<10240x128xf32, #tpu.memory_space<vmem_shared>> -> memref<640x128xf32, #tpu.memory_space<vmem_shared>>
        tpu.wait_dma2 semaphore(%run_scoped3A : memref<!tpu.dma_semaphore, #tpu.memory_space<semaphore_mem>>) src(%dma_wait3A_72 : memref<640x128xf32, #tpu.memory_space<vmem_shared>>) dst(%dma_wait3A_70 : memref<640x128xf32, #tpu.memory_space<hbm>>)
        tpu.yield
      }) : () -> ()
    } else {
    }
    return
  }
}

module attributes {stable_mosaic.version = 14 : i64} {
  func.func @_matmul_body(%arg0: i32, %arg1: memref<1000x128xf32, #tpu.memory_space<vmem>>, %arg2: memref<128x128xf32, #tpu.memory_space<vmem>>, %arg3: memref<1x128xf32, #tpu.memory_space<vmem>>, %arg4: memref<1000x128xf32, #tpu.memory_space<vmem>>) attributes {dimension_semantics = [#tpu.dimension_semantics<arbitrary>], iteration_bounds = array<i64: 10>, scalar_prefetch = 0 : i64, scratch_operands = 0 : i64, tpu.core_type = #tpu.core_type<tc>, window_params = [{transform_indices = @transform_0, window_bounds = array<i64: 1000, 128>}, {pipeline_mode = #tpu.pipeline_mode<synchronous>, transform_indices = @transform_1, window_bounds = array<i64: 128, 128>}, {pipeline_mode = #tpu.pipeline_mode<synchronous>, transform_indices = @transform_2, window_bounds = array<i64: 1, 128>}, {transform_indices = @transform_3, window_bounds = array<i64: 1000, 128>}]} {
    %get3A = arith.constant 0 : index
    %get3A_0 = arith.constant 0 : index
    %get3A_1 = vector.load %arg1[%get3A, %get3A_0] : memref<1000x128xf32, #tpu.memory_space<vmem>>, vector<1000x128xf32>
    %get3A_2 = arith.constant 0 : index
    %get3A_3 = arith.constant 0 : index
    %get3A_4 = vector.load %arg2[%get3A_2, %get3A_3] : memref<128x128xf32, #tpu.memory_space<vmem>>, vector<128x128xf32>
    %dot_general3A = arith.constant dense<0.000000e+00> : vector<1000x128xf32>
    %dot_general3A_5 = tpu.matmul %get3A_1, %get3A_4, %dot_general3A {dimension_numbers = #tpu.dot_dimension_numbers<[1], [1], [0], [0], [0, 0, 1, 0], [], []>, transpose_lhs_hint = false} : vector<1000x128xf32>, vector<128x128xf32>, vector<1000x128xf32> -> vector<1000x128xf32>
    %get3A_6 = arith.constant 0 : index
    %get3A_7 = arith.constant 0 : index
    %get3A_8 = vector.load %arg3[%get3A_6, %get3A_7] : memref<1x128xf32, #tpu.memory_space<vmem>>, vector<1x128xf32>
    %add3A = vector.broadcast %get3A_8 : vector<1x128xf32> to vector<1000x128xf32>
    %add3A_9 = arith.addf %dot_general3A_5, %add3A : vector<1000x128xf32>
    %swap3A = arith.constant 0 : index
    %swap3A_10 = arith.constant 0 : index
    %swap3A_11 = vector.load %arg4[%swap3A, %swap3A_10] : memref<1000x128xf32, #tpu.memory_space<vmem>>, vector<1000x128xf32>
    tpu.vector_store %arg4[%swap3A, %swap3A_10], %add3A_9 {strides = array<i32>} : memref<1000x128xf32, #tpu.memory_space<vmem>>, vector<1000x128xf32>,
    return
  }
  func.func @transform_0(%arg0: i32) -> (i32, i32) {
    %c0_i32 = arith.constant 0 : i32
    %c0_i32_0 = arith.constant 0 : i32
    return %arg0, %c0_i32 : i32, i32
  }
  func.func @transform_1(%arg0: i32) -> (i32, i32) {
    %c0_i32 = arith.constant 0 : i32
    %c0_i32_0 = arith.constant 0 : i32
    %c0_i32_1 = arith.constant 0 : i32
    return %c0_i32, %c0_i32_0 : i32, i32
  }
  func.func @transform_2(%arg0: i32) -> (i32, i32) {
    %c0_i32 = arith.constant 0 : i32
    %c0_i32_0 = arith.constant 0 : i32
    %c0_i32_1 = arith.constant 0 : i32
    return %c0_i32, %c0_i32_0 : i32, i32
  }
  func.func @transform_3(%arg0: i32) -> (i32, i32) {
    %c0_i32 = arith.constant 0 : i32
    %c0_i32_0 = arith.constant 0 : i32
    return %arg0, %c0_i32 : i32, i32
  }
}

module attributes {stable_mosaic.version = 14 : i64} {
  func.func @_add3_body(%arg0: i32, %arg1: memref<1000x128xf32, #tpu.memory_space<vmem>>, %arg2: memref<1000x128xf32, #tpu.memory_space<vmem>>, %arg3: memref<1000x128xf32, #tpu.memory_space<vmem>>, %arg4: memref<1000x128xf32, #tpu.memory_space<vmem>>) attributes {dimension_semantics = [#tpu.dimension_semantics<arbitrary>], iteration_bounds = array<i64: 10>, scalar_prefetch = 0 : i64, scratch_operands = 0 : i64, tpu.core_type = #tpu.core_type<tc>, window_params = [{transform_indices = @transform_0, window_bounds = array<i64: 1000, 128>}, {transform_indices = @transform_1, window_bounds = array<i64: 1000, 128>}, {transform_indices = @transform_2, window_bounds = array<i64: 1000, 128>}, {transform_indices = @transform_3, window_bounds = array<i64: 1000, 128>}]} {
    %get3A = arith.constant 0 : index
    %get3A_0 = arith.constant 0 : index
    %get3A_1 = vector.load %arg1[%get3A, %get3A_0] : memref<1000x128xf32, #tpu.memory_space<vmem>>, vector<1000x128xf32>
    %get3A_2 = arith.constant 0 : index
    %get3A_3 = arith.constant 0 : index
    %get3A_4 = vector.load %arg2[%get3A_2, %get3A_3] : memref<1000x128xf32, #tpu.memory_space<vmem>>, vector<1000x128xf32>
    %add3A = arith.addf %get3A_1, %get3A_4 : vector<1000x128xf32>
    %get3A_5 = arith.constant 0 : index
    %get3A_6 = arith.constant 0 : index
    %get3A_7 = vector.load %arg3[%get3A_5, %get3A_6] : memref<1000x128xf32, #tpu.memory_space<vmem>>, vector<1000x128xf32>
    %add3A_8 = arith.addf %add3A, %get3A_7 : vector<1000x128xf32>
    %swap3A = arith.constant 0 : index
    %swap3A_9 = arith.constant 0 : index
    %swap3A_10 = vector.load %arg4[%swap3A, %swap3A_9] : memref<1000x128xf32, #tpu.memory_space<vmem>>, vector<1000x128xf32>
    tpu.vector_store %arg4[%swap3A, %swap3A_9], %add3A_8 {strides = array<i32>} : memref<1000x128xf32, #tpu.memory_space<vmem>>, vector<1000x128xf32>,
    return
  }
  func.func @transform_0(%arg0: i32) -> (i32, i32) {
    %c0_i32 = arith.constant 0 : i32
    %c0_i32_0 = arith.constant 0 : i32
    return %arg0, %c0_i32 : i32, i32
  }
  func.func @transform_1(%arg0: i32) -> (i32, i32) {
    %c0_i32 = arith.constant 0 : i32
    %c0_i32_0 = arith.constant 0 : i32
    return %arg0, %c0_i32 : i32, i32
  }
  func.func @transform_2(%arg0: i32) -> (i32, i32) {
    %c0_i32 = arith.constant 0 : i32
    %c0_i32_0 = arith.constant 0 : i32
    return %arg0, %c0_i32 : i32, i32
  }
  func.func @transform_3(%arg0: i32) -> (i32, i32) {
    %c0_i32 = arith.constant 0 : i32
    %c0_i32_0 = arith.constant 0 : i32
    return %arg0, %c0_i32 : i32, i32
  }
}

</mosaic_0001>

<sc_bundles>
// kernel: sc_graph_agg.3.cloned.1.call-start
scs
__scs_entry_jumppad:
0x0: {  	(pc) =	sbr.rel $0x88, $3  }
0x1: {  	(tag) =	ssettag $0x0;
	lr =	simm.s32 $0x1  }
0x2: {  	[smem:$0x3F9D] =	sst lr;
	_ =	strace $0xD0000000  }
0x3: {  	_ = 	snop  }
0x4: {  	_ = 	snop  }
0x5: {  	_ = 	snop  }
0x6: {  	_ = 	snop  }
0x7: {  	_ = 	snop  }
__scs_overlays_trampoline_lowered:
0x8: {  	[smem:$0x3FAC] =	sst s0  }
0x9: {  	[smem:$0x3FAD] =	sst s1  }
0xa: {  	[smem:$0x3FAE] =	sst s2  }
0xb: {  	[smem:$0x3FAF] =	sst s3  }
0xc: {  	[smem:$0x3FB0] =	sst s4  }
0xd: {  	[smem:$0x3FB1] =	sst s5  }
0xe: {  	[smem:$0x3FB2] =	sst s6  }
0xf: {  	[smem:$0x3FB3] =	sst s7  }
0x10: {  	[smem:$0x3FB4] =	sst s8  }
0x11: {  	[smem:$0x3FB5] =	sst s9;
	s0 =	simm.s32 @!p0 $0x0  }
0x12: {  	s1 =	sld [smem:$0x3F9B];
	s0 =	simm.s32 @p0 $0x1  }
0x13: {  	[smem:$0x3FB6] =	sst s0;
	s0 =	simm.s32 @!p1 $0x0  }
0x14: {  	s2 =	sld [smem:$0x3F9A];
	s0 =	simm.s32 @p1 $0x1  }
0x15: {  	[smem:$0x3FB7] =	sst s0;
	s0 =	simm.s32 @!p2 $0x0  }
0x16: {  	s3 =	sld [smem:$0x3FDB];
	s0 =	simm.s32 @p2 $0x1  }
0x17: {  	s4 =	simm.s32 $0x1BF5;
	[smem:$0x3FB9] =	sst s0  }
0x18: {  	s0 =	sld [smem:$0x3F9C];
	_ =	swait.ge [sflag:s4], $0x0  }
0x19: {  	s7 =	sld [smem:$0x3F9D]  }
0x1a: {  	s8 =	sadd.s32 $0xFFFFE003, lr  }
0x1b: {  	s9 =	sadd.s32 $0xFFFFFEF7, lr;
	s5 =	simm.s32 $0xFFFFFFFF;
	p2 =	slt.u32 s8, $0xFFFFF086  }
0x1c: {  	p1 =	slt.u32 s9, $0xF7A;
	s5 =	simm.s32 @!p2 $0x0  }
0x1d: {  	s5 =	simm.s32 @p1 $0x1;
	p0 =	seq.s32 s7, s2  }
0x1e: {  	s7 =	smul.u32 @!p0 $0xF7A, s2;
	p2 =	seq.s32 @!p0 s5, $0x0  }
0x1f: {  	s9 =	smul.u32 $0xF7A, s1;
	s8 =	simm.s32 @!p0 $0x1BF5;
	p2 =	por !p2, p0  }
0x20: {  	[sflag:s8] =	ssyncset.s32 @!p0 $0xFFFFF086;
	s6 =	sadd.s32 @!p0 s3, s7;
	s7 =	simm.s32 @!p0 $0x108  }
0x21: {  	s3 =	sadd.s32 s3, s9;
	s6 =	sadd.s32 @!p0 $0x88, s6;
	s7 =	simm.s32 @p2 $0x1082  }
0x22: {  	[simem:s7], [sflag:s8] =	dma.local @!p0 [hbm:s6], $0xF7A  }
0x23: {  	s9 =	sor.u32 $0xD0000000, s2;
	s6 =	simm.s32 $0x108;
	_ =	swait.ge @!p0 [sflag:s8], $0x0  }
0x24: {  	s3 =	sadd.s32 $0x88, s3;
	s6 =	simm.s32 @!p1 $0x1082;
	[sflag:s4] =	ssyncset.s32 $0xFFFFF086  }
0x25: {  	[simem:s6], [sflag:s4] =	dma.local [hbm:s3], $0xF7A  }
0x26: {  	[smem:$0x3F9D] =	sst s1;
	(tag) =	ssettag s2;
	_ =	strace s9  }
0x27: {  	s1 =	sld [smem:$0x3FAD]  }
0x28: {  	s2 =	sld [smem:$0x3FAE]  }
0x29: {  	s4 =	sld [smem:$0x3FB0]  }
0x2a: {  	p0 =	seq.s32 s5, $0x0;
	s5 =	sld [smem:$0x3FB1]  }
0x2b: {  	s6 =	sld [smem:$0x3FB2]  }
0x2c: {  	s7 =	sld [smem:$0x3FB3]  }
0x2d: {  	s3 =	simm.s32 $0x108;
	s8 =	sld [smem:$0x3FB4]  }
0x2e: {  	s3 =	simm.s32 @!p0 $0x1082;
	s9 =	sld [smem:$0x3FB5]  }
0x2f: {  	lr =	sadd.s32 s0, s3;
	s0 =	sld [smem:$0x3FAC]  }
0x30: {  	s3 =	sld [smem:$0x3FAF]  }
0x31: {  	[smem:$0x3FB8] =	sst s10  }
0x32: {  	s10 =	sld [smem:$0x3FB6];
	_ =	sdelay $0x3  }
0x33: {  	p0 =	seq.s32 s10, $0x1;
	s10 =	sld [smem:$0x3FB8];
	_ =	sdelay $0x3  }
0x34: {  	[smem:$0x3FB8] =	sst s10  }
0x35: {  	s10 =	sld [smem:$0x3FB7];
	_ =	sdelay $0x3  }
0x36: {  	p1 =	seq.s32 s10, $0x1;
	s10 =	sld [smem:$0x3FB8];
	_ =	sdelay $0x3  }
0x37: {  	[smem:$0x3FB8] =	sst s10  }
0x38: {  	s10 =	sld [smem:$0x3FB9]  }
0x39: {  	_ = 	snop;
	(pc) =	sbr.ind lr, $3  }
0x3a: {  	_ = 	snop  }
0x3b: {  	_ = 	snop  }
0x3c: {  	p2 =	seq.s32 s10, $0x1;
	s10 =	sld [smem:$0x3FB8]  }
0x3d: {  	_ =	shalt  }
0x3e: {  	_ =	shalt  }
0x3f: {  	_ =	shalt  }
0x40: {  	_ =	shalt  }
0x41: {  	_ =	shalt  }
0x42: {  	_ =	shalt  }
0x43: {  	_ =	shalt  }
0x44: {  	_ =	shalt  }
0x45: {  	_ =	shalt  }
0x46: {  	_ =	shalt  }
0x47: {  	_ =	shalt  }
0x48: {  	_ =	shalt  }
0x49: {  	_ =	shalt  }
0x4a: {  	_ =	shalt  }
0x4b: {  	_ =	shalt  }
0x4c: {  	_ =	shalt  }
0x4d: {  	_ =	shalt  }
0x4e: {  	_ =	shalt  }
0x4f: {  	_ =	shalt  }
0x50: {  	_ =	shalt  }
0x51: {  	_ =	shalt  }
0x52: {  	_ =	shalt  }
0x53: {  	_ =	shalt  }
0x54: {  	_ =	shalt  }
0x55: {  	_ =	shalt  }
0x56: {  	_ =	shalt  }
0x57: {  	_ =	shalt  }
0x58: {  	_ =	shalt  }
0x59: {  	_ =	shalt  }
0x5a: {  	_ =	shalt  }
0x5b: {  	_ =	shalt  }
0x5c: {  	_ =	shalt  }
0x5d: {  	_ =	shalt  }
0x5e: {  	_ =	shalt  }
0x5f: {  	_ =	shalt  }
0x60: {  	_ =	shalt  }
0x61: {  	_ =	shalt  }
0x62: {  	_ =	shalt  }
0x63: {  	_ =	shalt  }
0x64: {  	_ =	shalt  }
0x65: {  	_ =	shalt  }
0x66: {  	_ =	shalt  }
0x67: {  	_ =	shalt  }
0x68: {  	_ =	shalt  }
0x69: {  	_ =	shalt  }
0x6a: {  	_ =	shalt  }
0x6b: {  	_ =	shalt  }
0x6c: {  	_ =	shalt  }
0x6d: {  	_ =	shalt  }
0x6e: {  	_ =	shalt  }
0x6f: {  	_ =	shalt  }
0x70: {  	_ =	shalt  }
0x71: {  	_ =	shalt  }
0x72: {  	_ =	shalt  }
0x73: {  	_ =	shalt  }
0x74: {  	_ =	shalt  }
0x75: {  	_ =	shalt  }
0x76: {  	_ =	shalt  }
0x77: {  	_ =	shalt  }
0x78: {  	_ =	shalt  }
0x79: {  	_ =	shalt  }
0x7a: {  	_ =	shalt  }
0x7b: {  	_ =	shalt  }
0x7c: {  	_ =	shalt  }
0x7d: {  	_ =	shalt  }
0x7e: {  	_ =	shalt  }
0x7f: {  	_ =	shalt  }
0x80: {  	_ =	shalt  }
0x81: {  	_ =	shalt  }
0x82: {  	_ =	shalt  }
0x83: {  	_ =	shalt  }
0x84: {  	_ =	shalt  }
0x85: {  	_ =	shalt  }
0x86: {  	_ =	shalt  }
0x87: {  	_ =	shalt  }
.Lfunc_end0:
.L_simem_size_0:
called_computation_lowered:
.L_overlay_start_0:
0x88: {  	s2 =	sld [smem:$0x3FD9]  }
0x89: {  	s3 =	sld [smem:$0x3FFE];
	_ =	sdelay $0x1  }
0x8a: {  	s1 =	srdreg.scid  }
0x8b: {  	s0 =	sand.u32 $0x1, s1  }
0x8c: {  	s17 =	sshll.u32 s0, $0xA;
	s2 =	sadd.s32 s3, s2  }
0x8d: {  	s2 =	sadd.s32 s2, s17  }
0x8e: {  	[smem:$0x3FC4] =	sst s2  }
0x8f: {  	_ = 	snop  }
0x90: {  	s2 =	sld [smem:$0x3FD0];
	(tm) =	ssettm $0x1  }
0x91: {  	s18 =	sld [smem:$0x3FFB];
	_ =	sdelay $0x3  }
0x92: {  	_ =	strace s18  }
0x93: {  	s3 =	sld [smem:$0x3FFC];
	_ =	sdelay $0x3  }
0x94: {  	_ =	strace s3  }
0x95: {  	s3 =	sld [smem:$0x3FFD];
	_ =	sdelay $0x3  }
0x96: {  	_ =	strace s3  }
0x97: {  	_ =	strace $0x8FFFFFFF  }
0x98: {  	s19 =	sld [smem:$0x3FDB];
	_ =	sdelay $0x1  }
0x99: {  	s4 =	simm.s32 $_scs_section_size  }
0x9a: {  	s5 =	simm.s32 $_size__tile_overlayer_lowered;
	s6 =	simm.s32 $_tile_overlayer_lowered  }
0x9b: {  	s22 =	simm.s32 $0x1BFF;
	s21 =	sshll.u32 s6, $0x1;
	s3 =	sadd.s32 s4, s19  }
0x9c: {  	s7 =	simm.s32 $0x0;
	s20 =	sshll.u32 s5, $0x1;
	s5 =	sadd.s32 s21, s3  }
0x9d: {  	[timem:s7], [sflag:s22] =	dma.local [hbm:s5], s20  }
0x9e: {  	_ =	swait.ge [sflag:s22], s20  }
0x9f: {  	s4 =	ssub.s32 $0x0, s20;
	[sflag:s22] =	ssyncset.done $0x0  }
0xa0: {  	[sflag:s22] =	ssyncadd.s32 s4;
	_ =	sdelay $0x1  }
0xa1: {  	s23 =	simm.s32 $0x1B8B  }
0xa2: {  	_ =	swait.ge [sflag:s23], $0x1  }
0xa3: {  	[sflag:s23] =	ssyncset.done $0x0  }
0xa4: {  	s25 =	simm.s32 $0x1B8E;
	s24 =	sld [smem:$0x3FFE];
	[sflag:s23] =	ssyncadd.s32 $0xFFFFFFFF  }
0xa5: {  	s26 =	simm.s32 $execute0_lowered;
	[smem:$0x3FD2] =	sst s25  }
0xa6: {  	s5 =	sshll.u32 s26, $0x1;
	_ =	strace $0x80000046;
	[dreg:$0x1] =	wrdreg $0xFFFFFFFF  }
0xa7: {  	s28 =	simm.s32 $_size_execute0_lowered;
	s3 =	sadd.s32 s3, s5;
	[dreg:$0x0] =	wrdreg $0x0  }
0xa8: {  	s5 =	sshll.u32 s28, $0x1;
	[dreg:$0x2] =	wrdreg s3  }
0xa9: {  	[dreg:$0x3] =	wrdreg s5  }
0xaa: {  	[dreg:$0x4] =	wrdreg $0xC0  }
0xab: {  	_ =	task [dreg:s7], $0x5FFFF  }
0xac: {  	[dreg:$0x1] =	wrdreg $0xFFFFFFFF  }
0xad: {  	[dreg:$0x0] =	wrdreg $0x60  }
0xae: {  	[dreg:$0x2] =	wrdreg s2  }
0xaf: {  	[dreg:$0x3] =	wrdreg s24  }
0xb0: {  	[dreg:$0x4] =	wrdreg $0x0  }
0xb1: {  	[dreg:$0x5] =	wrdreg $0x9  }
0xb2: {  	_ =	task.clear_ibuf [dreg:s7], $0x6FFFF;
	_ =	strace $0x90000046  }
0xb3: {  	s29 =	simm.s32 $0x9;
	_ =	strace $0x80000048  }
0xb4: {  	_ =	swait.ge [sflag:s29], $0x1  }
0xb5: {  	[sflag:s29] =	ssyncadd.s32 $0xFFFFFFFF  }
0xb6: {  	_ =	strace $0x90000048  }
0xb7: {  	_ =	sfence  }
0xb8: {  	s30 =	sld [smem:$0x0];
	_ =	sdelay $0x2  }
0xb9: {  	s31 =	sshll.u32 s1, $0xD;
	s1 =	sshrl.u32 s1, $0x2  }
0xba: {  	s3 =	sand.u32 $0x4000, s31;
	s1 =	sadd.s32 s1, s30  }
0xbb: {  	s0 =	sor.u32 s3, s0;
	s1 =	sshll.u32 s1, $0x11  }
0xbc: {  	s0 =	sor.u32 s1, s0  }
0xbd: {  	s0 =	sadd.s32 $0x8F2B, s0  }
0xbe: {  	[sflag:s0] =	ssyncadd.remote.s32 $0x1  }
0xbf: {  	_ =	sfence.sel $0xFFFF  }
0xc0: {  	[dreg:$0x0] =	wrdreg $0xFFFFFFFF;
	(pc) =	sbr.abs _section_cstart, $3  }
0xc1: {  	[dreg:$0x1] =	wrdreg $0xFFFFFFFF  }
0xc2: {  	_ =	task.clear_ibuf [dreg:s7], $0x2FFFF;
	_ =	strace $0x9FFFFFFF  }
0xc3: {  	(tm) =	ssettm $0x7FFFFFFF  }
tec
execute0_lowered:
.L_overlay_start_1:
0x0: {  	(tag) =	ssettag $0x1  }
0x1: {  	s1 =	rddreg [dreg:$0x0]  }
0x2: {  	s0 =	rddreg [dreg:$0x1];
	s2 =	srdreg.scid  }
0x3: {  	s13 =	stileid.u32;
	s3 =	rddreg [dreg:$0x2];
	s4 =	simm.s32 $0x0  }
0x4: {  	s15 =	simm.s32 $0x1C580;
	s17 =	simm.s32 $0x1C080;
	s18 =	simm.s32 $0x1C600  }
0x5: {  	s19 =	simm.s32 $0x1C680;
	s20 =	simm.s32 $0x1C100;
	[smem:$0x7FF] =	sst s4  }
0x6: {  	s22 =	simm.s32 $0x1C180;
	_ =	strace $0x80000047;
	[dreg:$0x8] =	wrdreg s15  }
0x7: {  	s28 =	simm.s32 $0x1D200;
	s29 =	simm.s32 $0x1D280;
	[dreg:$0x9] =	wrdreg s17  }
0x8: {  	s30 =	simm.s32 $0x1CD00;
	s31 =	simm.s32 $0x1CD80;
	[dreg:$0xa] =	wrdreg s18  }
0x9: {  	s6 =	sand.u32 $0x1, s2;
	s2 =	smul.u32 $0x2800, s13;
	[dreg:$0xb] =	wrdreg s19  }
0xa: {  	s7 =	sadd.s32 $0x1600, s0;
	s8 =	sadd.s32 $0xB600, s0;
	[dreg:$0xc] =	wrdreg s20  }
0xb: {  	s26 =	smul.u32 $0x50000, s13;
	[dreg:$0xd] =	wrdreg s22;
	s15 =	simm.s32 $0x1C900  }
0xc: {  	s5 =	smul.u32 $0x28000, s6;
	s17 =	simm.s32 $0x1C400;
	[dreg:$0x16] =	wrdreg s15  }
0xd: {  	s9 =	ssub.s32 $0x2, s6;
	s18 =	simm.s32 $0x1C480;
	[dreg:$0x18] =	wrdreg s17  }
0xe: {  	s12 =	sshll.u32 s6, $0x4;
	s19 =	simm.s32 $0x1CF80;
	[dreg:$0x19] =	wrdreg s18  }
0xf: {  	p0 =	seq.s32 s6, $0x1;
	s20 =	simm.s32 $0x1D000;
	[dreg:$0x1a] =	wrdreg s19  }
0x10: {  	s22 =	simm.s32 $0x1CB00;
	s6 =	simm.s32 $0x1CE00;
	[dreg:$0x1b] =	wrdreg s20  }
0x11: {  	s14 =	sshrl.u32 s26, $0x2;
	s26 =	simm.s32 $0x1C780;
	[dreg:$0x1d] =	wrdreg s22  }
0x12: {  	s24 =	sor.u32 s13, s12;
	s12 =	simm.s32 $0x1C880;
	[dreg:$0xf] =	wrdreg s26  }
0x13: {  	s13 =	smul.u32 $0x2800, s24;
	s24 =	simm.s32 $0x1C700;
	[dreg:$0x13] =	wrdreg s12  }
0x14: {  	s11 =	sshrl.u32 s9, $0x1;
	s16 =	sadd.s32 s14, s3;
	[dreg:$0xe] =	wrdreg s24  }
0x15: {  	s9 =	ssub.s32 s9, s11;
	s11 =	simm.s32 $0x1C800;
	[smem:$0x7F9] =	sst s16  }
0x16: {  	s15 =	simm.s32 $0x1CA00;
	s14 =	simm.s32 $0x1C380;
	[dreg:$0x12] =	wrdreg s11  }
0x17: {  	s17 =	simm.s32 $0x1CA80;
	s26 =	simm.s32 $0x1CC00;
	[dreg:$0x15] =	wrdreg s14  }
0x18: {  	s18 =	simm.s32 $0x18000;
	s21 =	smax.u32 s9, $0x1;
	[smem:$0x7FD] =	sst s26  }
0x19: {  	s19 =	simm.s32 $0x1C000;
	s23 =	sadd.s32 $0x4000, s16;
	[smem:$0x7F5] =	sst s21  }
0x1a: {  	s20 =	simm.s32 $0x1C500;
	s9 =	simm.s32 $0x1C200;
	[smem:$0x7F6] =	sst s23  }
0x1b: {  	s5 =	sadd.s32 s2, s5;
	s24 =	simm.s32 $0x1D100;
	[dreg:$0x10] =	wrdreg s9  }
0x1c: {  	s10 =	sor.u32 $0x500, s5;
	s21 =	simm.s32 $0x1D080;
	[dreg:$0x1f] =	wrdreg s24  }
0x1d: {  	s10 =	sshrl.u32 s10, $0x3;
	s23 =	simm.s32 $0x1CB80;
	[dreg:$0x1c] =	wrdreg s21  }
0x1e: {  	s22 =	simm.s32 $0x4;
	s25 =	sadd.s32 s10, s8;
	[dreg:$0x1e] =	wrdreg s23  }
0x1f: {  	s5 =	sshrl.u32 s5, $0x3;
	s10 =	sadd.s32 s10, s7;
	[dreg:$0x4] =	wrdreg s25  }
0x20: {  	s14 =	simm.s32 $0x5;
	s8 =	sadd.s32 s5, s8;
	[dreg:$0x5] =	wrdreg s10  }
0x21: {  	s26 =	simm.s32 $0x1CC80;
	s5 =	sadd.s32 s5, s7;
	[dreg:$0x6] =	wrdreg s8  }
0x22: {  	s24 =	simm.s32 $0x2;
	[dreg:$0x7] =	wrdreg s5;
	s25 =	sadd.s32 $0x8000, s16  }
0x23: {  	s21 =	simm.s32 $0x3;
	s8 =	sadd.s32 $0xC000, s16;
	[smem:$0x7F7] =	sst s25  }
0x24: {  	s23 =	simm.s32 $0x1;
	s5 =	sadd.s32 $0x10000, s16;
	[smem:$0x7F8] =	sst s8  }
0x25: {  	s10 =	sshrl.u32 s13, $0x3;
	s13 =	simm.s32 $0x1C300;
	[smem:$0x7FA] =	sst s5  }
0x26: {  	s16 =	simm.s32 $0x1C980;
	s7 =	sadd.s32 s7, s10;
	[dreg:$0x14] =	wrdreg s13  }
0x27: {  	s10 =	simm.s32 $0x1C280;
	s13 =	simm.s32 $0x14000;
	[dreg:$0x17] =	wrdreg s16  }
0x28: {  	s16 =	simm.s32 $0x80;
	[smem:$0x7F4] =	sst s7;
	s7 =	simm.s32 $0x3D600  }
0x29: {  	s25 =	simm.s32 $0x1D180;
	[dreg:$0x11] =	wrdreg s10;
	s7 =	simm.s32 @!p0 $0x15600  }
0x2a: {  	s8 =	simm.s32 $0x0;
	[smem:$0x7FC] =	sst s25;
	s0 =	sadd.s32 s7, s0  }
0x2b: {  	s25 =	simm.s32 $0x1CF00;
	s7 =	simm.s32 $0x1CE80;
	s0 =	sadd.s32 s0, s2  }
0x2c: {  	v0 =	vimm.f32 $0.0e+00;
	s2 =	simm.s32 $0x1D300;
	[smem:$0x7FB] =	sst s0;
	s0 =	simm.s32 $0x1D380  }
.LBB2_1:
0x2d: {  	s9 =	sand.u32 $0x1FE00, s4  }
0x2e: {  	s10 =	sand.u32 $0x70, s4;
	s11 =	sshrl.u32 s9, $0x2  }
0x2f: {  	s9 =	simm.s32 $0x40;
	s11 =	sor.u32 s10, s11;
	s10 =	simm.s32 $0x0  }
.LBB2_2:
0x30: {  	p0 =	sne.s32 s9, $0x1FFC0  }
0x31: {  	[tilespmem:s11+$0x14000] =	vst v0;
	s10 =	sadd.s32 $0x10, s10;
	s11 =	smov.u32 s9;
	s9 =	sadd.s32 $0x40, s9  }
.Ltmp0:
0x32: {  	(pc) =	sbr.rel @p0 .LBB2_2-.Ltmp0, $4  }
0x33: {  	_ = 	snop  }
0x34: {  	s11 =	sand.u32 $0x1FE00, s11  }
0x35: {  	s12 =	sand.u32 $0x70, s10;
	s11 =	sshrl.u32 s11, $0x2  }
0x36: {  	s11 =	sor.u32 s12, s11  }
0x37: {  	s5 =	sld [smem:$0x7F9];
	_ =	sdelay $0x1  }
0x38: {  	[tilespmem:s11+$0x14000] =	vst v0  }
0x39: {  	[spmem:s5] =	stream.linear.scatter [tilespmem:s13], [sflag:$0x5], $0x4000, $0x38;
	[tilespmem:$0x1D400] =	vst v63  }
0x3a: {  	_ =	swait.ge [sflag:s14], $0x4000  }
0x3b: {  	s12 =	sld [smem:$0x7F6]  }
0x3c: {  	[sflag:s14] =	ssyncset.done $0x0  }
0x3d: {  	[sflag:s14] =	ssyncadd.s32 $0xFFFFC000  }
0x3e: {  	[spmem:s12] =	stream.linear.scatter [tilespmem:s13], [sflag:$0x5], $0x4000, $0x38;
	[tilespmem:$0x1D400] =	vst v63  }
0x3f: {  	_ =	swait.ge [sflag:s14], $0x4000  }
0x40: {  	s9 =	sld [smem:$0x7F7]  }
0x41: {  	[sflag:s14] =	ssyncset.done $0x0  }
0x42: {  	[sflag:s14] =	ssyncadd.s32 $0xFFFFC000  }
0x43: {  	[spmem:s9] =	stream.linear.scatter [tilespmem:s13], [sflag:$0x5], $0x4000, $0x38;
	[tilespmem:$0x1D400] =	vst v63  }
0x44: {  	_ =	swait.ge [sflag:s14], $0x4000  }
0x45: {  	s10 =	sld [smem:$0x7F8]  }
0x46: {  	[sflag:s14] =	ssyncset.done $0x0  }
0x47: {  	[sflag:s14] =	ssyncadd.s32 $0xFFFFC000  }
0x48: {  	[spmem:s10] =	stream.linear.scatter [tilespmem:s13], [sflag:$0x5], $0x4000, $0x38;
	[tilespmem:$0x1D400] =	vst v63  }
0x49: {  	_ =	swait.ge [sflag:s14], $0x4000  }
0x4a: {  	s11 =	sld [smem:$0x7FA]  }
0x4b: {  	[sflag:s14] =	ssyncset.done $0x0  }
0x4c: {  	[sflag:s14] =	ssyncadd.s32 $0xFFFFC000  }
0x4d: {  	[spmem:s11] =	stream.linear.scatter [tilespmem:s13], [sflag:$0x5], $0x4000, $0x38;
	[tilespmem:$0x1D400] =	vst v63  }
0x4e: {  	_ =	swait.ge [sflag:s14], $0x4000  }
0x4f: {  	[sflag:s14] =	ssyncset.done $0x0  }
0x50: {  	[sflag:s14] =	ssyncadd.s32 $0xFFFFC000  }
0x51: {  	[bflag:$0x0] =	sbarrier.arrive $0xFFFF  }
0x52: {  	s12 =	sld [smem:$0x7F4];
	_ =	sdelay $0x1  }
0x53: {  	s9 =	simm.s32 $0x0  }
0x54: {  	[tilespmem:s15], [sflag:$0x5] =	stream.linear.gather [hbm4b:s12+s9], $0x500, $0x38;
	[tilespmem:$0x1D400] =	vst v63  }
0x55: {  	_ =	swait.ge [sflag:s14], $0x500  }
0x56: {  	[sflag:s14] =	ssyncset.done $0x0  }
0x57: {  	[sflag:s14] =	ssyncadd.s32 $0xFFFFFB00  }
0x58: {  	[spmem:s3] =	stream.indirect.scatter.add.f32 [tilespmem:s13], [sflag:$0x3], $0x80, s15, s16, $0xb8;
	[tilespmem:$0x1D400] =	vst v63  }
0x59: {  	s10 =	rddreg [dreg:$0x7]  }
0x5a: {  	[spmem:s3] =	stream.indirect.scatter.add.f32 [tilespmem:s18], [sflag:$0x4], $0x80, s17, s16, $0xb8;
	[tilespmem:$0x1D400] =	vst v63  }
0x5b: {  	s9 =	sadd.s32 $0x0, s10  }
0x5c: {  	[tilespmem:s19], [sflag:$0x5] =	stream.linear.gather [hbm4b:s9+s4], $0x500, $0x38;
	[tilespmem:$0x1D400] =	vst v63  }
0x5d: {  	_ =	swait.ge [sflag:s14], $0x500  }
0x5e: {  	s11 =	rddreg [dreg:$0x6];
	[sflag:s14] =	ssyncset.done $0x0  }
0x5f: {  	[sflag:s14] =	ssyncadd.s32 $0xFFFFFB00;
	s9 =	sadd.s32 $0x0, s11  }
0x60: {  	[tilespmem:s20], [sflag:$0x5] =	stream.linear.gather [hbm4b:s9+s4], $0x500, $0x38;
	[tilespmem:$0x1D400] =	vst v63  }
0x61: {  	_ =	swait.ge [sflag:s14], $0x500  }
0x62: {  	[sflag:s14] =	ssyncset.done $0x0  }
0x63: {  	[sflag:s14] =	ssyncadd.s32 $0xFFFFFB00  }
0x64: {  	_ =	swait.ge [sflag:s21], $0x4000  }
0x65: {  	[sflag:s21] =	ssyncset.done $0x0  }
0x66: {  	[sflag:s21] =	ssyncadd.s32 $0xFFFFC000  }
0x67: {  	[tilespmem:s13], [sflag:$0x1] =	stream.indirect.gather [hbm4b:s1+s16], $0x80, s20, s16, $0xb8;
	[tilespmem:$0x1D400] =	vst v63  }
0x68: {  	_ =	swait.ge [sflag:s22], $0x4000  }
0x69: {  	[sflag:s22] =	ssyncset.done $0x0  }
0x6a: {  	s12 =	rddreg [dreg:$0x8];
	[sflag:s22] =	ssyncadd.s32 $0xFFFFC000  }
0x6b: {  	[tilespmem:s18], [sflag:$0x2] =	stream.indirect.gather [hbm4b:s1+s16], $0x80, s12, s16, $0xb8;
	[tilespmem:$0x1D400] =	vst v63  }
0x6c: {  	_ =	swait.ge [sflag:s23], $0x4000  }
0x6d: {  	[sflag:s23] =	ssyncset.done $0x0  }
0x6e: {  	[sflag:s23] =	ssyncadd.s32 $0xFFFFC000  }
0x6f: {  	[spmem:s3] =	stream.indirect.scatter.add.f32 [tilespmem:s13], [sflag:$0x3], $0x80, s19, s16, $0xb8;
	[tilespmem:$0x1D400] =	vst v63  }
0x70: {  	_ =	swait.ge [sflag:s24], $0x4000  }
0x71: {  	[sflag:s24] =	ssyncset.done $0x0  }
0x72: {  	s5 =	rddreg [dreg:$0x9];
	[sflag:s24] =	ssyncadd.s32 $0xFFFFC000  }
0x73: {  	[spmem:s3] =	stream.indirect.scatter.add.f32 [tilespmem:s18], [sflag:$0x4], $0x80, s5, s16, $0xb8;
	[tilespmem:$0x1D400] =	vst v63  }
0x74: {  	_ =	swait.ge [sflag:s21], $0x4000  }
0x75: {  	[sflag:s21] =	ssyncset.done $0x0  }
0x76: {  	s10 =	rddreg [dreg:$0xa];
	[sflag:s21] =	ssyncadd.s32 $0xFFFFC000  }
0x77: {  	[tilespmem:s13], [sflag:$0x1] =	stream.indirect.gather [hbm4b:s1+s16], $0x80, s10, s16, $0xb8;
	[tilespmem:$0x1D400] =	vst v63  }
0x78: {  	_ =	swait.ge [sflag:s22], $0x4000  }
0x79: {  	[sflag:s22] =	ssyncset.done $0x0  }
0x7a: {  	s11 =	rddreg [dreg:$0xb];
	[sflag:s22] =	ssyncadd.s32 $0xFFFFC000  }
0x7b: {  	[tilespmem:s18], [sflag:$0x2] =	stream.indirect.gather [hbm4b:s1+s16], $0x80, s11, s16, $0xb8;
	[tilespmem:$0x1D400] =	vst v63  }
0x7c: {  	_ =	swait.ge [sflag:s23], $0x4000  }
0x7d: {  	[sflag:s23] =	ssyncset.done $0x0  }
0x7e: {  	s12 =	rddreg [dreg:$0xc];
	[sflag:s23] =	ssyncadd.s32 $0xFFFFC000  }
0x7f: {  	[spmem:s3] =	stream.indirect.scatter.add.f32 [tilespmem:s13], [sflag:$0x3], $0x80, s12, s16, $0xb8;
	[tilespmem:$0x1D400] =	vst v63  }
0x80: {  	_ =	swait.ge [sflag:s24], $0x4000  }
0x81: {  	[sflag:s24] =	ssyncset.done $0x0  }
0x82: {  	s5 =	rddreg [dreg:$0xd];
	[sflag:s24] =	ssyncadd.s32 $0xFFFFC000  }
0x83: {  	[spmem:s3] =	stream.indirect.scatter.add.f32 [tilespmem:s18], [sflag:$0x4], $0x80, s5, s16, $0xb8;
	[tilespmem:$0x1D400] =	vst v63  }
0x84: {  	_ =	swait.ge [sflag:s21], $0x4000  }
0x85: {  	[sflag:s21] =	ssyncset.done $0x0  }
0x86: {  	s10 =	rddreg [dreg:$0xe];
	[sflag:s21] =	ssyncadd.s32 $0xFFFFC000  }
0x87: {  	[tilespmem:s13], [sflag:$0x1] =	stream.indirect.gather [hbm4b:s1+s16], $0x80, s10, s16, $0xb8;
	[tilespmem:$0x1D400] =	vst v63  }
0x88: {  	_ =	swait.ge [sflag:s22], $0x4000  }
0x89: {  	[sflag:s22] =	ssyncset.done $0x0  }
0x8a: {  	s11 =	rddreg [dreg:$0xf];
	[sflag:s22] =	ssyncadd.s32 $0xFFFFC000  }
0x8b: {  	[tilespmem:s18], [sflag:$0x2] =	stream.indirect.gather [hbm4b:s1+s16], $0x80, s11, s16, $0xb8;
	[tilespmem:$0x1D400] =	vst v63  }
0x8c: {  	_ =	swait.ge [sflag:s23], $0x4000  }
0x8d: {  	[sflag:s23] =	ssyncset.done $0x0  }
0x8e: {  	s12 =	rddreg [dreg:$0x10];
	[sflag:s23] =	ssyncadd.s32 $0xFFFFC000  }
0x8f: {  	[spmem:s3] =	stream.indirect.scatter.add.f32 [tilespmem:s13], [sflag:$0x3], $0x80, s12, s16, $0xb8;
	[tilespmem:$0x1D400] =	vst v63  }
0x90: {  	_ =	swait.ge [sflag:s24], $0x4000  }
0x91: {  	[sflag:s24] =	ssyncset.done $0x0  }
0x92: {  	s5 =	rddreg [dreg:$0x11];
	[sflag:s24] =	ssyncadd.s32 $0xFFFFC000  }
0x93: {  	[spmem:s3] =	stream.indirect.scatter.add.f32 [tilespmem:s18], [sflag:$0x4], $0x80, s5, s16, $0xb8;
	[tilespmem:$0x1D400] =	vst v63  }
0x94: {  	_ =	swait.ge [sflag:s21], $0x4000  }
0x95: {  	[sflag:s21] =	ssyncset.done $0x0  }
0x96: {  	s10 =	rddreg [dreg:$0x12];
	[sflag:s21] =	ssyncadd.s32 $0xFFFFC000  }
0x97: {  	[tilespmem:s13], [sflag:$0x1] =	stream.indirect.gather [hbm4b:s1+s16], $0x80, s10, s16, $0xb8;
	[tilespmem:$0x1D400] =	vst v63  }
0x98: {  	_ =	swait.ge [sflag:s22], $0x4000  }
0x99: {  	[sflag:s22] =	ssyncset.done $0x0  }
0x9a: {  	s11 =	rddreg [dreg:$0x13];
	[sflag:s22] =	ssyncadd.s32 $0xFFFFC000  }
0x9b: {  	[tilespmem:s18], [sflag:$0x2] =	stream.indirect.gather [hbm4b:s1+s16], $0x80, s11, s16, $0xb8;
	[tilespmem:$0x1D400] =	vst v63  }
0x9c: {  	_ =	swait.ge [sflag:s23], $0x4000  }
0x9d: {  	[sflag:s23] =	ssyncset.done $0x0  }
0x9e: {  	s12 =	rddreg [dreg:$0x14];
	[sflag:s23] =	ssyncadd.s32 $0xFFFFC000  }
0x9f: {  	[spmem:s3] =	stream.indirect.scatter.add.f32 [tilespmem:s13], [sflag:$0x3], $0x80, s12, s16, $0xb8;
	[tilespmem:$0x1D400] =	vst v63  }
0xa0: {  	_ =	swait.ge [sflag:s24], $0x4000  }
0xa1: {  	[sflag:s24] =	ssyncset.done $0x0  }
0xa2: {  	s5 =	rddreg [dreg:$0x15];
	[sflag:s24] =	ssyncadd.s32 $0xFFFFC000  }
0xa3: {  	[spmem:s3] =	stream.indirect.scatter.add.f32 [tilespmem:s18], [sflag:$0x4], $0x80, s5, s16, $0xb8;
	[tilespmem:$0x1D400] =	vst v63  }
0xa4: {  	_ =	swait.ge [sflag:s21], $0x4000  }
0xa5: {  	[sflag:s21] =	ssyncset.done $0x0  }
0xa6: {  	s10 =	rddreg [dreg:$0x16];
	[sflag:s21] =	ssyncadd.s32 $0xFFFFC000  }
0xa7: {  	[tilespmem:s13], [sflag:$0x1] =	stream.indirect.gather [hbm4b:s1+s16], $0x80, s10, s16, $0xb8;
	[tilespmem:$0x1D400] =	vst v63  }
0xa8: {  	_ =	swait.ge [sflag:s22], $0x4000  }
0xa9: {  	[sflag:s22] =	ssyncset.done $0x0  }
0xaa: {  	s11 =	rddreg [dreg:$0x17];
	[sflag:s22] =	ssyncadd.s32 $0xFFFFC000  }
0xab: {  	[tilespmem:s18], [sflag:$0x2] =	stream.indirect.gather [hbm4b:s1+s16], $0x80, s11, s16, $0xb8;
	[tilespmem:$0x1D400] =	vst v63  }
0xac: {  	_ =	swait.ge [sflag:s23], $0x4000  }
0xad: {  	[sflag:s23] =	ssyncset.done $0x0  }
0xae: {  	s12 =	rddreg [dreg:$0x18];
	[sflag:s23] =	ssyncadd.s32 $0xFFFFC000  }
0xaf: {  	[spmem:s3] =	stream.indirect.scatter.add.f32 [tilespmem:s13], [sflag:$0x3], $0x80, s12, s16, $0xb8;
	[tilespmem:$0x1D400] =	vst v63  }
0xb0: {  	_ =	swait.ge [sflag:s24], $0x4000  }
0xb1: {  	s5 =	rddreg [dreg:$0x19];
	[sflag:s24] =	ssyncset.done $0x0  }
0xb2: {  	s10 =	rddreg [dreg:$0x5];
	[sflag:s24] =	ssyncadd.s32 $0xFFFFC000  }
0xb3: {  	[spmem:s3] =	stream.indirect.scatter.add.f32 [tilespmem:s18], [sflag:$0x4], $0x80, s5, s16, $0xb8;
	[tilespmem:$0x1D400] =	vst v63  }
0xb4: {  	s11 =	sadd.s32 $0x0, s10  }
0xb5: {  	[tilespmem:s15], [sflag:$0x5] =	stream.linear.gather [hbm4b:s11+s4], $0x500, $0x38;
	[tilespmem:$0x1D400] =	vst v63  }
0xb6: {  	_ =	swait.ge [sflag:s14], $0x500  }
0xb7: {  	s12 =	rddreg [dreg:$0x4];
	[sflag:s14] =	ssyncset.done $0x0  }
0xb8: {  	[sflag:s14] =	ssyncadd.s32 $0xFFFFFB00;
	s9 =	sadd.s32 $0x0, s12  }
0xb9: {  	[tilespmem:s25], [sflag:$0x5] =	stream.linear.gather [hbm4b:s9+s4], $0x500, $0x38;
	[tilespmem:$0x1D400] =	vst v63  }
0xba: {  	_ =	swait.ge [sflag:s14], $0x500  }
0xbb: {  	[sflag:s14] =	ssyncset.done $0x0  }
0xbc: {  	[sflag:s14] =	ssyncadd.s32 $0xFFFFFB00  }
0xbd: {  	_ =	swait.ge [sflag:s21], $0x4000  }
0xbe: {  	[sflag:s21] =	ssyncset.done $0x0  }
0xbf: {  	[sflag:s21] =	ssyncadd.s32 $0xFFFFC000  }
0xc0: {  	[tilespmem:s13], [sflag:$0x1] =	stream.indirect.gather [hbm4b:s1+s16], $0x80, s25, s16, $0xb8;
	[tilespmem:$0x1D400] =	vst v63  }
0xc1: {  	_ =	swait.ge [sflag:s22], $0x4000  }
0xc2: {  	[sflag:s22] =	ssyncset.done $0x0  }
0xc3: {  	s5 =	rddreg [dreg:$0x1a];
	[sflag:s22] =	ssyncadd.s32 $0xFFFFC000  }
0xc4: {  	[tilespmem:s18], [sflag:$0x2] =	stream.indirect.gather [hbm4b:s1+s16], $0x80, s5, s16, $0xb8;
	[tilespmem:$0x1D400] =	vst v63  }
0xc5: {  	_ =	swait.ge [sflag:s23], $0x4000  }
0xc6: {  	[sflag:s23] =	ssyncset.done $0x0  }
0xc7: {  	[sflag:s23] =	ssyncadd.s32 $0xFFFFC000  }
0xc8: {  	[spmem:s3] =	stream.indirect.scatter.add.f32 [tilespmem:s13], [sflag:$0x3], $0x80, s15, s16, $0xb8;
	[tilespmem:$0x1D400] =	vst v63  }
0xc9: {  	_ =	swait.ge [sflag:s24], $0x4000  }
0xca: {  	[sflag:s24] =	ssyncset.done $0x0  }
0xcb: {  	[sflag:s24] =	ssyncadd.s32 $0xFFFFC000  }
0xcc: {  	[spmem:s3] =	stream.indirect.scatter.add.f32 [tilespmem:s18], [sflag:$0x4], $0x80, s17, s16, $0xb8;
	[tilespmem:$0x1D400] =	vst v63  }
0xcd: {  	_ =	swait.ge [sflag:s21], $0x4000  }
0xce: {  	[sflag:s21] =	ssyncset.done $0x0  }
0xcf: {  	s10 =	rddreg [dreg:$0x1b];
	[sflag:s21] =	ssyncadd.s32 $0xFFFFC000  }
0xd0: {  	[tilespmem:s13], [sflag:$0x1] =	stream.indirect.gather [hbm4b:s1+s16], $0x80, s10, s16, $0xb8;
	[tilespmem:$0x1D400] =	vst v63  }
0xd1: {  	_ =	swait.ge [sflag:s22], $0x4000  }
0xd2: {  	[sflag:s22] =	ssyncset.done $0x0  }
0xd3: {  	s11 =	rddreg [dreg:$0x1c];
	[sflag:s22] =	ssyncadd.s32 $0xFFFFC000  }
0xd4: {  	[tilespmem:s18], [sflag:$0x2] =	stream.indirect.gather [hbm4b:s1+s16], $0x80, s11, s16, $0xb8;
	[tilespmem:$0x1D400] =	vst v63  }
0xd5: {  	_ =	swait.ge [sflag:s23], $0x4000  }
0xd6: {  	[sflag:s23] =	ssyncset.done $0x0  }
0xd7: {  	s12 =	rddreg [dreg:$0x1d];
	[sflag:s23] =	ssyncadd.s32 $0xFFFFC000  }
0xd8: {  	[spmem:s3] =	stream.indirect.scatter.add.f32 [tilespmem:s13], [sflag:$0x3], $0x80, s12, s16, $0xb8;
	[tilespmem:$0x1D400] =	vst v63  }
0xd9: {  	_ =	swait.ge [sflag:s24], $0x4000  }
0xda: {  	[sflag:s24] =	ssyncset.done $0x0  }
0xdb: {  	s5 =	rddreg [dreg:$0x1e];
	[sflag:s24] =	ssyncadd.s32 $0xFFFFC000  }
0xdc: {  	[spmem:s3] =	stream.indirect.scatter.add.f32 [tilespmem:s18], [sflag:$0x4], $0x80, s5, s16, $0xb8;
	[tilespmem:$0x1D400] =	vst v63  }
0xdd: {  	_ =	swait.ge [sflag:s21], $0x4000  }
0xde: {  	[sflag:s21] =	ssyncset.done $0x0  }
0xdf: {  	s10 =	rddreg [dreg:$0x1f];
	[sflag:s21] =	ssyncadd.s32 $0xFFFFC000  }
0xe0: {  	[tilespmem:s13], [sflag:$0x1] =	stream.indirect.gather [hbm4b:s1+s16], $0x80, s10, s16, $0xb8;
	[tilespmem:$0x1D400] =	vst v63  }
0xe1: {  	_ =	swait.ge [sflag:s22], $0x4000  }
0xe2: {  	s11 =	sld [smem:$0x7FC]  }
0xe3: {  	[sflag:s22] =	ssyncset.done $0x0  }
0xe4: {  	[sflag:s22] =	ssyncadd.s32 $0xFFFFC000  }
0xe5: {  	[tilespmem:s18], [sflag:$0x2] =	stream.indirect.gather [hbm4b:s1+s16], $0x80, s11, s16, $0xb8;
	[tilespmem:$0x1D400] =	vst v63  }
0xe6: {  	_ =	swait.ge [sflag:s23], $0x4000  }
0xe7: {  	s12 =	sld [smem:$0x7FD]  }
0xe8: {  	[sflag:s23] =	ssyncset.done $0x0  }
0xe9: {  	[sflag:s23] =	ssyncadd.s32 $0xFFFFC000  }
0xea: {  	[spmem:s3] =	stream.indirect.scatter.add.f32 [tilespmem:s13], [sflag:$0x3], $0x80, s12, s16, $0xb8;
	[tilespmem:$0x1D400] =	vst v63  }
0xeb: {  	_ =	swait.ge [sflag:s24], $0x4000  }
0xec: {  	[sflag:s24] =	ssyncset.done $0x0  }
0xed: {  	[sflag:s24] =	ssyncadd.s32 $0xFFFFC000  }
0xee: {  	[spmem:s3] =	stream.indirect.scatter.add.f32 [tilespmem:s18], [sflag:$0x4], $0x80, s26, s16, $0xb8;
	[tilespmem:$0x1D400] =	vst v63  }
0xef: {  	_ =	swait.ge [sflag:s21], $0x4000  }
0xf0: {  	[sflag:s21] =	ssyncset.done $0x0  }
0xf1: {  	[sflag:s21] =	ssyncadd.s32 $0xFFFFC000  }
0xf2: {  	[tilespmem:s13], [sflag:$0x1] =	stream.indirect.gather [hbm4b:s1+s16], $0x80, s28, s16, $0xb8;
	[tilespmem:$0x1D400] =	vst v63  }
0xf3: {  	_ =	swait.ge [sflag:s22], $0x4000  }
0xf4: {  	[sflag:s22] =	ssyncset.done $0x0  }
0xf5: {  	[sflag:s22] =	ssyncadd.s32 $0xFFFFC000  }
0xf6: {  	[tilespmem:s18], [sflag:$0x2] =	stream.indirect.gather [hbm4b:s1+s16], $0x80, s29, s16, $0xb8;
	[tilespmem:$0x1D400] =	vst v63  }
0xf7: {  	_ =	swait.ge [sflag:s23], $0x4000  }
0xf8: {  	[sflag:s23] =	ssyncset.done $0x0  }
0xf9: {  	[sflag:s23] =	ssyncadd.s32 $0xFFFFC000  }
0xfa: {  	[spmem:s3] =	stream.indirect.scatter.add.f32 [tilespmem:s13], [sflag:$0x3], $0x80, s30, s16, $0xb8;
	[tilespmem:$0x1D400] =	vst v63  }
0xfb: {  	_ =	swait.ge [sflag:s24], $0x4000  }
0xfc: {  	[sflag:s24] =	ssyncset.done $0x0  }
0xfd: {  	[sflag:s24] =	ssyncadd.s32 $0xFFFFC000  }
0xfe: {  	[spmem:s3] =	stream.indirect.scatter.add.f32 [tilespmem:s18], [sflag:$0x4], $0x80, s31, s16, $0xb8;
	[tilespmem:$0x1D400] =	vst v63  }
0xff: {  	_ =	swait.ge [sflag:s21], $0x4000  }
0x100: {  	[sflag:s21] =	ssyncset.done $0x0  }
0x101: {  	[sflag:s21] =	ssyncadd.s32 $0xFFFFC000  }
0x102: {  	[tilespmem:s13], [sflag:$0x1] =	stream.indirect.gather [hbm4b:s1+s16], $0x80, s2, s16, $0xb8;
	[tilespmem:$0x1D400] =	vst v63  }
0x103: {  	_ =	swait.ge [sflag:s22], $0x4000  }
0x104: {  	[sflag:s22] =	ssyncset.done $0x0  }
0x105: {  	[sflag:s22] =	ssyncadd.s32 $0xFFFFC000  }
0x106: {  	[tilespmem:s18], [sflag:$0x2] =	stream.indirect.gather [hbm4b:s1+s16], $0x80, s0, s16, $0xb8;
	[tilespmem:$0x1D400] =	vst v63  }
0x107: {  	_ =	swait.ge [sflag:s23], $0x4000  }
0x108: {  	[sflag:s23] =	ssyncset.done $0x0  }
0x109: {  	[sflag:s23] =	ssyncadd.s32 $0xFFFFC000  }
0x10a: {  	[spmem:s3] =	stream.indirect.scatter.add.f32 [tilespmem:s13], [sflag:$0x3], $0x80, s6, s16, $0xb8;
	[tilespmem:$0x1D400] =	vst v63  }
0x10b: {  	_ =	swait.ge [sflag:s24], $0x4000  }
0x10c: {  	s9 =	simm.s32 $0x140;
	[sflag:s24] =	ssyncset.done $0x0  }
0x10d: {  	s10 =	simm.s32 $0x280;
	s12 =	rddreg [dreg:$0x7];
	[sflag:s24] =	ssyncadd.s32 $0xFFFFC000  }
.LBB2_4:
0x10e: {  	[spmem:s3] =	stream.indirect.scatter.add.f32 [tilespmem:s18], [sflag:$0x4], $0x80, s7, s16, $0xb8;
	[tilespmem:$0x1D400] =	vst v63  }
0x10f: {  	s12 =	sadd.s32 s9, s12  }
0x110: {  	[tilespmem:s19], [sflag:$0x5] =	stream.linear.gather [hbm4b:s12+s4], $0x500, $0x38;
	[tilespmem:$0x1D400] =	vst v63  }
0x111: {  	_ =	swait.ge [sflag:s14], $0x500  }
0x112: {  	s5 =	rddreg [dreg:$0x6];
	[sflag:s14] =	ssyncset.done $0x0  }
0x113: {  	[sflag:s14] =	ssyncadd.s32 $0xFFFFFB00;
	s12 =	sadd.s32 s9, s5  }
0x114: {  	[tilespmem:s20], [sflag:$0x5] =	stream.linear.gather [hbm4b:s12+s4], $0x500, $0x38;
	[tilespmem:$0x1D400] =	vst v63  }
0x115: {  	_ =	swait.ge [sflag:s14], $0x500  }
0x116: {  	[sflag:s14] =	ssyncset.done $0x0  }
0x117: {  	[sflag:s14] =	ssyncadd.s32 $0xFFFFFB00  }
0x118: {  	_ =	swait.ge [sflag:s21], $0x4000  }
0x119: {  	[sflag:s21] =	ssyncset.done $0x0  }
0x11a: {  	[sflag:s21] =	ssyncadd.s32 $0xFFFFC000  }
0x11b: {  	[tilespmem:s13], [sflag:$0x1] =	stream.indirect.gather [hbm4b:s1+s16], $0x80, s20, s16, $0xb8;
	[tilespmem:$0x1D400] =	vst v63  }
0x11c: {  	_ =	swait.ge [sflag:s22], $0x4000  }
0x11d: {  	[sflag:s22] =	ssyncset.done $0x0  }
0x11e: {  	s5 =	rddreg [dreg:$0x8];
	[sflag:s22] =	ssyncadd.s32 $0xFFFFC000  }
0x11f: {  	[tilespmem:s18], [sflag:$0x2] =	stream.indirect.gather [hbm4b:s1+s16], $0x80, s5, s16, $0xb8;
	[tilespmem:$0x1D400] =	vst v63  }
0x120: {  	_ =	swait.ge [sflag:s23], $0x4000  }
0x121: {  	[sflag:s23] =	ssyncset.done $0x0  }
0x122: {  	[sflag:s23] =	ssyncadd.s32 $0xFFFFC000  }
0x123: {  	[spmem:s3] =	stream.indirect.scatter.add.f32 [tilespmem:s13], [sflag:$0x3], $0x80, s19, s16, $0xb8;
	[tilespmem:$0x1D400] =	vst v63  }
0x124: {  	_ =	swait.ge [sflag:s24], $0x4000  }
0x125: {  	[sflag:s24] =	ssyncset.done $0x0  }
0x126: {  	s5 =	rddreg [dreg:$0x9];
	[sflag:s24] =	ssyncadd.s32 $0xFFFFC000  }
0x127: {  	[spmem:s3] =	stream.indirect.scatter.add.f32 [tilespmem:s18], [sflag:$0x4], $0x80, s5, s16, $0xb8;
	[tilespmem:$0x1D400] =	vst v63  }
0x128: {  	_ =	swait.ge [sflag:s21], $0x4000  }
0x129: {  	[sflag:s21] =	ssyncset.done $0x0  }
0x12a: {  	s5 =	rddreg [dreg:$0xa];
	[sflag:s21] =	ssyncadd.s32 $0xFFFFC000  }
0x12b: {  	[tilespmem:s13], [sflag:$0x1] =	stream.indirect.gather [hbm4b:s1+s16], $0x80, s5, s16, $0xb8;
	[tilespmem:$0x1D400] =	vst v63  }
0x12c: {  	_ =	swait.ge [sflag:s22], $0x4000  }
0x12d: {  	[sflag:s22] =	ssyncset.done $0x0  }
0x12e: {  	s5 =	rddreg [dreg:$0xb];
	[sflag:s22] =	ssyncadd.s32 $0xFFFFC000  }
0x12f: {  	[tilespmem:s18], [sflag:$0x2] =	stream.indirect.gather [hbm4b:s1+s16], $0x80, s5, s16, $0xb8;
	[tilespmem:$0x1D400] =	vst v63  }
0x130: {  	_ =	swait.ge [sflag:s23], $0x4000  }
0x131: {  	[sflag:s23] =	ssyncset.done $0x0  }
0x132: {  	s5 =	rddreg [dreg:$0xc];
	[sflag:s23] =	ssyncadd.s32 $0xFFFFC000  }
0x133: {  	[spmem:s3] =	stream.indirect.scatter.add.f32 [tilespmem:s13], [sflag:$0x3], $0x80, s5, s16, $0xb8;
	[tilespmem:$0x1D400] =	vst v63  }
0x134: {  	_ =	swait.ge [sflag:s24], $0x4000  }
0x135: {  	[sflag:s24] =	ssyncset.done $0x0  }
0x136: {  	s5 =	rddreg [dreg:$0xd];
	[sflag:s24] =	ssyncadd.s32 $0xFFFFC000  }
0x137: {  	[spmem:s3] =	stream.indirect.scatter.add.f32 [tilespmem:s18], [sflag:$0x4], $0x80, s5, s16, $0xb8;
	[tilespmem:$0x1D400] =	vst v63  }
0x138: {  	_ =	swait.ge [sflag:s21], $0x4000  }
0x139: {  	[sflag:s21] =	ssyncset.done $0x0  }
0x13a: {  	s5 =	rddreg [dreg:$0xe];
	[sflag:s21] =	ssyncadd.s32 $0xFFFFC000  }
0x13b: {  	[tilespmem:s13], [sflag:$0x1] =	stream.indirect.gather [hbm4b:s1+s16], $0x80, s5, s16, $0xb8;
	[tilespmem:$0x1D400] =	vst v63  }
0x13c: {  	_ =	swait.ge [sflag:s22], $0x4000  }
0x13d: {  	[sflag:s22] =	ssyncset.done $0x0  }
0x13e: {  	s5 =	rddreg [dreg:$0xf];
	[sflag:s22] =	ssyncadd.s32 $0xFFFFC000  }
0x13f: {  	[tilespmem:s18], [sflag:$0x2] =	stream.indirect.gather [hbm4b:s1+s16], $0x80, s5, s16, $0xb8;
	[tilespmem:$0x1D400] =	vst v63  }
0x140: {  	_ =	swait.ge [sflag:s23], $0x4000  }
0x141: {  	[sflag:s23] =	ssyncset.done $0x0  }
0x142: {  	s5 =	rddreg [dreg:$0x10];
	[sflag:s23] =	ssyncadd.s32 $0xFFFFC000  }
0x143: {  	[spmem:s3] =	stream.indirect.scatter.add.f32 [tilespmem:s13], [sflag:$0x3], $0x80, s5, s16, $0xb8;
	[tilespmem:$0x1D400] =	vst v63  }
0x144: {  	_ =	swait.ge [sflag:s24], $0x4000  }
0x145: {  	[sflag:s24] =	ssyncset.done $0x0  }
0x146: {  	s5 =	rddreg [dreg:$0x11];
	[sflag:s24] =	ssyncadd.s32 $0xFFFFC000  }
0x147: {  	[spmem:s3] =	stream.indirect.scatter.add.f32 [tilespmem:s18], [sflag:$0x4], $0x80, s5, s16, $0xb8;
	[tilespmem:$0x1D400] =	vst v63  }
0x148: {  	_ =	swait.ge [sflag:s21], $0x4000  }
0x149: {  	[sflag:s21] =	ssyncset.done $0x0  }
0x14a: {  	s5 =	rddreg [dreg:$0x12];
	[sflag:s21] =	ssyncadd.s32 $0xFFFFC000  }
0x14b: {  	[tilespmem:s13], [sflag:$0x1] =	stream.indirect.gather [hbm4b:s1+s16], $0x80, s5, s16, $0xb8;
	[tilespmem:$0x1D400] =	vst v63  }
0x14c: {  	_ =	swait.ge [sflag:s22], $0x4000  }
0x14d: {  	[sflag:s22] =	ssyncset.done $0x0  }
0x14e: {  	s5 =	rddreg [dreg:$0x13];
	[sflag:s22] =	ssyncadd.s32 $0xFFFFC000  }
0x14f: {  	[tilespmem:s18], [sflag:$0x2] =	stream.indirect.gather [hbm4b:s1+s16], $0x80, s5, s16, $0xb8;
	[tilespmem:$0x1D400] =	vst v63  }
0x150: {  	_ =	swait.ge [sflag:s23], $0x4000  }
0x151: {  	[sflag:s23] =	ssyncset.done $0x0  }
0x152: {  	s5 =	rddreg [dreg:$0x14];
	[sflag:s23] =	ssyncadd.s32 $0xFFFFC000  }
0x153: {  	[spmem:s3] =	stream.indirect.scatter.add.f32 [tilespmem:s13], [sflag:$0x3], $0x80, s5, s16, $0xb8;
	[tilespmem:$0x1D400] =	vst v63  }
0x154: {  	_ =	swait.ge [sflag:s24], $0x4000  }
0x155: {  	[sflag:s24] =	ssyncset.done $0x0  }
0x156: {  	s5 =	rddreg [dreg:$0x15];
	[sflag:s24] =	ssyncadd.s32 $0xFFFFC000  }
0x157: {  	[spmem:s3] =	stream.indirect.scatter.add.f32 [tilespmem:s18], [sflag:$0x4], $0x80, s5, s16, $0xb8;
	[tilespmem:$0x1D400] =	vst v63  }
0x158: {  	_ =	swait.ge [sflag:s21], $0x4000  }
0x159: {  	[sflag:s21] =	ssyncset.done $0x0  }
0x15a: {  	s5 =	rddreg [dreg:$0x16];
	[sflag:s21] =	ssyncadd.s32 $0xFFFFC000  }
0x15b: {  	[tilespmem:s13], [sflag:$0x1] =	stream.indirect.gather [hbm4b:s1+s16], $0x80, s5, s16, $0xb8;
	[tilespmem:$0x1D400] =	vst v63  }
0x15c: {  	_ =	swait.ge [sflag:s22], $0x4000  }
0x15d: {  	[sflag:s22] =	ssyncset.done $0x0  }
0x15e: {  	s5 =	rddreg [dreg:$0x17];
	[sflag:s22] =	ssyncadd.s32 $0xFFFFC000  }
0x15f: {  	[tilespmem:s18], [sflag:$0x2] =	stream.indirect.gather [hbm4b:s1+s16], $0x80, s5, s16, $0xb8;
	[tilespmem:$0x1D400] =	vst v63  }
0x160: {  	_ =	swait.ge [sflag:s23], $0x4000  }
0x161: {  	[sflag:s23] =	ssyncset.done $0x0  }
0x162: {  	s5 =	rddreg [dreg:$0x18];
	[sflag:s23] =	ssyncadd.s32 $0xFFFFC000  }
0x163: {  	[spmem:s3] =	stream.indirect.scatter.add.f32 [tilespmem:s13], [sflag:$0x3], $0x80, s5, s16, $0xb8;
	[tilespmem:$0x1D400] =	vst v63  }
0x164: {  	_ =	swait.ge [sflag:s24], $0x4000  }
0x165: {  	s12 =	rddreg [dreg:$0x19];
	[sflag:s24] =	ssyncset.done $0x0  }
0x166: {  	s5 =	rddreg [dreg:$0x5];
	[sflag:s24] =	ssyncadd.s32 $0xFFFFC000  }
0x167: {  	[spmem:s3] =	stream.indirect.scatter.add.f32 [tilespmem:s18], [sflag:$0x4], $0x80, s12, s16, $0xb8;
	[tilespmem:$0x1D400] =	vst v63  }
0x168: {  	s5 =	sadd.s32 s9, s5  }
0x169: {  	[tilespmem:s15], [sflag:$0x5] =	stream.linear.gather [hbm4b:s5+s4], $0x500, $0x38;
	[tilespmem:$0x1D400] =	vst v63  }
0x16a: {  	_ =	swait.ge [sflag:s14], $0x500  }
0x16b: {  	s12 =	rddreg [dreg:$0x4];
	[sflag:s14] =	ssyncset.done $0x0  }
0x16c: {  	[sflag:s14] =	ssyncadd.s32 $0xFFFFFB00;
	s5 =	sadd.s32 s9, s12  }
0x16d: {  	[tilespmem:s25], [sflag:$0x5] =	stream.linear.gather [hbm4b:s5+s4], $0x500, $0x38;
	[tilespmem:$0x1D400] =	vst v63  }
0x16e: {  	_ =	swait.ge [sflag:s14], $0x500  }
0x16f: {  	[sflag:s14] =	ssyncset.done $0x0  }
0x170: {  	[sflag:s14] =	ssyncadd.s32 $0xFFFFFB00  }
0x171: {  	_ =	swait.ge [sflag:s21], $0x4000  }
0x172: {  	[sflag:s21] =	ssyncset.done $0x0  }
0x173: {  	[sflag:s21] =	ssyncadd.s32 $0xFFFFC000  }
0x174: {  	[tilespmem:s13], [sflag:$0x1] =	stream.indirect.gather [hbm4b:s1+s16], $0x80, s25, s16, $0xb8;
	[tilespmem:$0x1D400] =	vst v63  }
0x175: {  	_ =	swait.ge [sflag:s22], $0x4000  }
0x176: {  	s11 =	smov.u32 s10;
	[sflag:s22] =	ssyncset.done $0x0  }
0x177: {  	s9 =	smov.u32 s11;
	s11 =	rddreg [dreg:$0x1a];
	[sflag:s22] =	ssyncadd.s32 $0xFFFFC000  }
0x178: {  	[tilespmem:s18], [sflag:$0x2] =	stream.indirect.gather [hbm4b:s1+s16], $0x80, s11, s16, $0xb8;
	[tilespmem:$0x1D400] =	vst v63  }
0x179: {  	_ =	swait.ge [sflag:s23], $0x4000  }
0x17a: {  	[sflag:s23] =	ssyncset.done $0x0  }
0x17b: {  	[sflag:s23] =	ssyncadd.s32 $0xFFFFC000  }
0x17c: {  	[spmem:s3] =	stream.indirect.scatter.add.f32 [tilespmem:s13], [sflag:$0x3], $0x80, s15, s16, $0xb8;
	[tilespmem:$0x1D400] =	vst v63  }
0x17d: {  	_ =	swait.ge [sflag:s24], $0x4000  }
0x17e: {  	[sflag:s24] =	ssyncset.done $0x0  }
0x17f: {  	[sflag:s24] =	ssyncadd.s32 $0xFFFFC000  }
0x180: {  	[spmem:s3] =	stream.indirect.scatter.add.f32 [tilespmem:s18], [sflag:$0x4], $0x80, s17, s16, $0xb8;
	[tilespmem:$0x1D400] =	vst v63  }
0x181: {  	_ =	swait.ge [sflag:s21], $0x4000  }
0x182: {  	[sflag:s21] =	ssyncset.done $0x0  }
0x183: {  	s12 =	rddreg [dreg:$0x1b];
	[sflag:s21] =	ssyncadd.s32 $0xFFFFC000  }
0x184: {  	[tilespmem:s13], [sflag:$0x1] =	stream.indirect.gather [hbm4b:s1+s16], $0x80, s12, s16, $0xb8;
	[tilespmem:$0x1D400] =	vst v63  }
0x185: {  	_ =	swait.ge [sflag:s22], $0x4000  }
0x186: {  	[sflag:s22] =	ssyncset.done $0x0  }
0x187: {  	s11 =	rddreg [dreg:$0x1c];
	[sflag:s22] =	ssyncadd.s32 $0xFFFFC000  }
0x188: {  	[tilespmem:s18], [sflag:$0x2] =	stream.indirect.gather [hbm4b:s1+s16], $0x80, s11, s16, $0xb8;
	[tilespmem:$0x1D400] =	vst v63  }
0x189: {  	_ =	swait.ge [sflag:s23], $0x4000  }
0x18a: {  	[sflag:s23] =	ssyncset.done $0x0  }
0x18b: {  	s12 =	rddreg [dreg:$0x1d];
	[sflag:s23] =	ssyncadd.s32 $0xFFFFC000  }
0x18c: {  	[spmem:s3] =	stream.indirect.scatter.add.f32 [tilespmem:s13], [sflag:$0x3], $0x80, s12, s16, $0xb8;
	[tilespmem:$0x1D400] =	vst v63  }
0x18d: {  	_ =	swait.ge [sflag:s24], $0x4000  }
0x18e: {  	[sflag:s24] =	ssyncset.done $0x0  }
0x18f: {  	s11 =	rddreg [dreg:$0x1e];
	[sflag:s24] =	ssyncadd.s32 $0xFFFFC000  }
0x190: {  	[spmem:s3] =	stream.indirect.scatter.add.f32 [tilespmem:s18], [sflag:$0x4], $0x80, s11, s16, $0xb8;
	[tilespmem:$0x1D400] =	vst v63  }
0x191: {  	_ =	swait.ge [sflag:s21], $0x4000  }
0x192: {  	[sflag:s21] =	ssyncset.done $0x0  }
0x193: {  	s12 =	rddreg [dreg:$0x1f];
	[sflag:s21] =	ssyncadd.s32 $0xFFFFC000  }
0x194: {  	[tilespmem:s13], [sflag:$0x1] =	stream.indirect.gather [hbm4b:s1+s16], $0x80, s12, s16, $0xb8;
	[tilespmem:$0x1D400] =	vst v63  }
0x195: {  	_ =	swait.ge [sflag:s22], $0x4000  }
0x196: {  	s11 =	sld [smem:$0x7FC]  }
0x197: {  	[sflag:s22] =	ssyncset.done $0x0  }
0x198: {  	[sflag:s22] =	ssyncadd.s32 $0xFFFFC000  }
0x199: {  	[tilespmem:s18], [sflag:$0x2] =	stream.indirect.gather [hbm4b:s1+s16], $0x80, s11, s16, $0xb8;
	[tilespmem:$0x1D400] =	vst v63  }
0x19a: {  	_ =	swait.ge [sflag:s23], $0x4000  }
0x19b: {  	s12 =	sld [smem:$0x7FD]  }
0x19c: {  	[sflag:s23] =	ssyncset.done $0x0  }
0x19d: {  	[sflag:s23] =	ssyncadd.s32 $0xFFFFC000  }
0x19e: {  	[spmem:s3] =	stream.indirect.scatter.add.f32 [tilespmem:s13], [sflag:$0x3], $0x80, s12, s16, $0xb8;
	[tilespmem:$0x1D400] =	vst v63  }
0x19f: {  	_ =	swait.ge [sflag:s24], $0x4000  }
0x1a0: {  	[sflag:s24] =	ssyncset.done $0x0  }
0x1a1: {  	[sflag:s24] =	ssyncadd.s32 $0xFFFFC000  }
0x1a2: {  	[spmem:s3] =	stream.indirect.scatter.add.f32 [tilespmem:s18], [sflag:$0x4], $0x80, s26, s16, $0xb8;
	[tilespmem:$0x1D400] =	vst v63  }
0x1a3: {  	_ =	swait.ge [sflag:s21], $0x4000  }
0x1a4: {  	[sflag:s21] =	ssyncset.done $0x0  }
0x1a5: {  	[sflag:s21] =	ssyncadd.s32 $0xFFFFC000  }
0x1a6: {  	[tilespmem:s13], [sflag:$0x1] =	stream.indirect.gather [hbm4b:s1+s16], $0x80, s28, s16, $0xb8;
	[tilespmem:$0x1D400] =	vst v63  }
0x1a7: {  	_ =	swait.ge [sflag:s22], $0x4000  }
0x1a8: {  	[sflag:s22] =	ssyncset.done $0x0  }
0x1a9: {  	[sflag:s22] =	ssyncadd.s32 $0xFFFFC000  }
0x1aa: {  	[tilespmem:s18], [sflag:$0x2] =	stream.indirect.gather [hbm4b:s1+s16], $0x80, s29, s16, $0xb8;
	[tilespmem:$0x1D400] =	vst v63  }
0x1ab: {  	_ =	swait.ge [sflag:s23], $0x4000  }
0x1ac: {  	[sflag:s23] =	ssyncset.done $0x0  }
0x1ad: {  	[sflag:s23] =	ssyncadd.s32 $0xFFFFC000  }
0x1ae: {  	[spmem:s3] =	stream.indirect.scatter.add.f32 [tilespmem:s13], [sflag:$0x3], $0x80, s30, s16, $0xb8;
	[tilespmem:$0x1D400] =	vst v63  }
0x1af: {  	_ =	swait.ge [sflag:s24], $0x4000  }
0x1b0: {  	[sflag:s24] =	ssyncset.done $0x0  }
0x1b1: {  	[sflag:s24] =	ssyncadd.s32 $0xFFFFC000  }
0x1b2: {  	[spmem:s3] =	stream.indirect.scatter.add.f32 [tilespmem:s18], [sflag:$0x4], $0x80, s31, s16, $0xb8;
	[tilespmem:$0x1D400] =	vst v63  }
0x1b3: {  	_ =	swait.ge [sflag:s21], $0x4000  }
0x1b4: {  	[sflag:s21] =	ssyncset.done $0x0  }
0x1b5: {  	[sflag:s21] =	ssyncadd.s32 $0xFFFFC000  }
0x1b6: {  	[tilespmem:s13], [sflag:$0x1] =	stream.indirect.gather [hbm4b:s1+s16], $0x80, s2, s16, $0xb8;
	[tilespmem:$0x1D400] =	vst v63  }
0x1b7: {  	_ =	swait.ge [sflag:s22], $0x4000  }
0x1b8: {  	[sflag:s22] =	ssyncset.done $0x0  }
0x1b9: {  	[sflag:s22] =	ssyncadd.s32 $0xFFFFC000  }
0x1ba: {  	[tilespmem:s18], [sflag:$0x2] =	stream.indirect.gather [hbm4b:s1+s16], $0x80, s0, s16, $0xb8;
	[tilespmem:$0x1D400] =	vst v63  }
0x1bb: {  	_ =	swait.ge [sflag:s23], $0x4000  }
0x1bc: {  	p0 =	sne.s32 s10, $0x3C0;
	[sflag:s23] =	ssyncset.done $0x0  }
.Ltmp1:
0x1bd: {  	[sflag:s23] =	ssyncadd.s32 $0xFFFFC000;
	(pc) =	sbr.rel @p0 .LBB2_4-.Ltmp1, $4  }
0x1be: {  	[spmem:s3] =	stream.indirect.scatter.add.f32 [tilespmem:s13], [sflag:$0x3], $0x80, s6, s16, $0xb8;
	[tilespmem:$0x1D400] =	vst v63  }
0x1bf: {  	_ =	swait.ge [sflag:s24], $0x4000  }
0x1c0: {  	[sflag:s24] =	ssyncset.done $0x0  }
0x1c1: {  	s10 =	sadd.s32 $0x140, s10;
	s12 =	rddreg [dreg:$0x7];
	[sflag:s24] =	ssyncadd.s32 $0xFFFFC000  }
0x1c2: {  	[spmem:s3] =	stream.indirect.scatter.add.f32 [tilespmem:s18], [sflag:$0x4], $0x80, s7, s16, $0xb8;
	[tilespmem:$0x1D400] =	vst v63  }
0x1c3: {  	s5 =	sadd.s32 s9, s12  }
0x1c4: {  	[tilespmem:s19], [sflag:$0x5] =	stream.linear.gather [hbm4b:s5+s4], $0x500, $0x38;
	[tilespmem:$0x1D400] =	vst v63  }
0x1c5: {  	_ =	swait.ge [sflag:s14], $0x500  }
0x1c6: {  	s12 =	rddreg [dreg:$0x6];
	[sflag:s14] =	ssyncset.done $0x0  }
0x1c7: {  	[sflag:s14] =	ssyncadd.s32 $0xFFFFFB00;
	s5 =	sadd.s32 s9, s12  }
0x1c8: {  	[tilespmem:s20], [sflag:$0x5] =	stream.linear.gather [hbm4b:s5+s4], $0x500, $0x38;
	[tilespmem:$0x1D400] =	vst v63  }
0x1c9: {  	_ =	swait.ge [sflag:s14], $0x500  }
0x1ca: {  	[sflag:s14] =	ssyncset.done $0x0  }
0x1cb: {  	[sflag:s14] =	ssyncadd.s32 $0xFFFFFB00  }
0x1cc: {  	_ =	swait.ge [sflag:s21], $0x4000  }
0x1cd: {  	[sflag:s21] =	ssyncset.done $0x0  }
0x1ce: {  	[sflag:s21] =	ssyncadd.s32 $0xFFFFC000  }
0x1cf: {  	[tilespmem:s13], [sflag:$0x1] =	stream.indirect.gather [hbm4b:s1+s16], $0x80, s20, s16, $0xb8;
	[tilespmem:$0x1D400] =	vst v63  }
0x1d0: {  	_ =	swait.ge [sflag:s22], $0x4000  }
0x1d1: {  	[sflag:s22] =	ssyncset.done $0x0  }
0x1d2: {  	s10 =	rddreg [dreg:$0x8];
	[sflag:s22] =	ssyncadd.s32 $0xFFFFC000  }
0x1d3: {  	[tilespmem:s18], [sflag:$0x2] =	stream.indirect.gather [hbm4b:s1+s16], $0x80, s10, s16, $0xb8;
	[tilespmem:$0x1D400] =	vst v63  }
0x1d4: {  	_ =	swait.ge [sflag:s23], $0x4000  }
0x1d5: {  	[sflag:s23] =	ssyncset.done $0x0  }
0x1d6: {  	[sflag:s23] =	ssyncadd.s32 $0xFFFFC000  }
0x1d7: {  	[spmem:s3] =	stream.indirect.scatter.add.f32 [tilespmem:s13], [sflag:$0x3], $0x80, s19, s16, $0xb8;
	[tilespmem:$0x1D400] =	vst v63  }
0x1d8: {  	_ =	swait.ge [sflag:s24], $0x4000  }
0x1d9: {  	[sflag:s24] =	ssyncset.done $0x0  }
0x1da: {  	s11 =	rddreg [dreg:$0x9];
	[sflag:s24] =	ssyncadd.s32 $0xFFFFC000  }
0x1db: {  	[spmem:s3] =	stream.indirect.scatter.add.f32 [tilespmem:s18], [sflag:$0x4], $0x80, s11, s16, $0xb8;
	[tilespmem:$0x1D400] =	vst v63  }
0x1dc: {  	_ =	swait.ge [sflag:s21], $0x4000  }
0x1dd: {  	[sflag:s21] =	ssyncset.done $0x0  }
0x1de: {  	s12 =	rddreg [dreg:$0xa];
	[sflag:s21] =	ssyncadd.s32 $0xFFFFC000  }
0x1df: {  	[tilespmem:s13], [sflag:$0x1] =	stream.indirect.gather [hbm4b:s1+s16], $0x80, s12, s16, $0xb8;
	[tilespmem:$0x1D400] =	vst v63  }
0x1e0: {  	_ =	swait.ge [sflag:s22], $0x4000  }
0x1e1: {  	[sflag:s22] =	ssyncset.done $0x0  }
0x1e2: {  	s10 =	rddreg [dreg:$0xb];
	[sflag:s22] =	ssyncadd.s32 $0xFFFFC000  }
0x1e3: {  	[tilespmem:s18], [sflag:$0x2] =	stream.indirect.gather [hbm4b:s1+s16], $0x80, s10, s16, $0xb8;
	[tilespmem:$0x1D400] =	vst v63  }
0x1e4: {  	_ =	swait.ge [sflag:s23], $0x4000  }
0x1e5: {  	[sflag:s23] =	ssyncset.done $0x0  }
0x1e6: {  	s11 =	rddreg [dreg:$0xc];
	[sflag:s23] =	ssyncadd.s32 $0xFFFFC000  }
0x1e7: {  	[spmem:s3] =	stream.indirect.scatter.add.f32 [tilespmem:s13], [sflag:$0x3], $0x80, s11, s16, $0xb8;
	[tilespmem:$0x1D400] =	vst v63  }
0x1e8: {  	_ =	swait.ge [sflag:s24], $0x4000  }
0x1e9: {  	[sflag:s24] =	ssyncset.done $0x0  }
0x1ea: {  	s12 =	rddreg [dreg:$0xd];
	[sflag:s24] =	ssyncadd.s32 $0xFFFFC000  }
0x1eb: {  	[spmem:s3] =	stream.indirect.scatter.add.f32 [tilespmem:s18], [sflag:$0x4], $0x80, s12, s16, $0xb8;
	[tilespmem:$0x1D400] =	vst v63  }
0x1ec: {  	_ =	swait.ge [sflag:s21], $0x4000  }
0x1ed: {  	[sflag:s21] =	ssyncset.done $0x0  }
0x1ee: {  	s10 =	rddreg [dreg:$0xe];
	[sflag:s21] =	ssyncadd.s32 $0xFFFFC000  }
0x1ef: {  	[tilespmem:s13], [sflag:$0x1] =	stream.indirect.gather [hbm4b:s1+s16], $0x80, s10, s16, $0xb8;
	[tilespmem:$0x1D400] =	vst v63  }
0x1f0: {  	_ =	swait.ge [sflag:s22], $0x4000  }
0x1f1: {  	[sflag:s22] =	ssyncset.done $0x0  }
0x1f2: {  	s11 =	rddreg [dreg:$0xf];
	[sflag:s22] =	ssyncadd.s32 $0xFFFFC000  }
0x1f3: {  	[tilespmem:s18], [sflag:$0x2] =	stream.indirect.gather [hbm4b:s1+s16], $0x80, s11, s16, $0xb8;
	[tilespmem:$0x1D400] =	vst v63  }
0x1f4: {  	_ =	swait.ge [sflag:s23], $0x4000  }
0x1f5: {  	[sflag:s23] =	ssyncset.done $0x0  }
0x1f6: {  	s12 =	rddreg [dreg:$0x10];
	[sflag:s23] =	ssyncadd.s32 $0xFFFFC000  }
0x1f7: {  	[spmem:s3] =	stream.indirect.scatter.add.f32 [tilespmem:s13], [sflag:$0x3], $0x80, s12, s16, $0xb8;
	[tilespmem:$0x1D400] =	vst v63  }
0x1f8: {  	_ =	swait.ge [sflag:s24], $0x4000  }
0x1f9: {  	[sflag:s24] =	ssyncset.done $0x0  }
0x1fa: {  	s10 =	rddreg [dreg:$0x11];
	[sflag:s24] =	ssyncadd.s32 $0xFFFFC000  }
0x1fb: {  	[spmem:s3] =	stream.indirect.scatter.add.f32 [tilespmem:s18], [sflag:$0x4], $0x80, s10, s16, $0xb8;
	[tilespmem:$0x1D400] =	vst v63  }
0x1fc: {  	_ =	swait.ge [sflag:s21], $0x4000  }
0x1fd: {  	[sflag:s21] =	ssyncset.done $0x0  }
0x1fe: {  	s11 =	rddreg [dreg:$0x12];
	[sflag:s21] =	ssyncadd.s32 $0xFFFFC000  }
0x1ff: {  	[tilespmem:s13], [sflag:$0x1] =	stream.indirect.gather [hbm4b:s1+s16], $0x80, s11, s16, $0xb8;
	[tilespmem:$0x1D400] =	vst v63  }
0x200: {  	_ =	swait.ge [sflag:s22], $0x4000  }
0x201: {  	[sflag:s22] =	ssyncset.done $0x0  }
0x202: {  	s12 =	rddreg [dreg:$0x13];
	[sflag:s22] =	ssyncadd.s32 $0xFFFFC000  }
0x203: {  	[tilespmem:s18], [sflag:$0x2] =	stream.indirect.gather [hbm4b:s1+s16], $0x80, s12, s16, $0xb8;
	[tilespmem:$0x1D400] =	vst v63  }
0x204: {  	_ =	swait.ge [sflag:s23], $0x4000  }
0x205: {  	[sflag:s23] =	ssyncset.done $0x0  }
0x206: {  	s10 =	rddreg [dreg:$0x14];
	[sflag:s23] =	ssyncadd.s32 $0xFFFFC000  }
0x207: {  	[spmem:s3] =	stream.indirect.scatter.add.f32 [tilespmem:s13], [sflag:$0x3], $0x80, s10, s16, $0xb8;
	[tilespmem:$0x1D400] =	vst v63  }
0x208: {  	_ =	swait.ge [sflag:s24], $0x4000  }
0x209: {  	[sflag:s24] =	ssyncset.done $0x0  }
0x20a: {  	s11 =	rddreg [dreg:$0x15];
	[sflag:s24] =	ssyncadd.s32 $0xFFFFC000  }
0x20b: {  	[spmem:s3] =	stream.indirect.scatter.add.f32 [tilespmem:s18], [sflag:$0x4], $0x80, s11, s16, $0xb8;
	[tilespmem:$0x1D400] =	vst v63  }
0x20c: {  	_ =	swait.ge [sflag:s21], $0x4000  }
0x20d: {  	[sflag:s21] =	ssyncset.done $0x0  }
0x20e: {  	s12 =	rddreg [dreg:$0x16];
	[sflag:s21] =	ssyncadd.s32 $0xFFFFC000  }
0x20f: {  	[tilespmem:s13], [sflag:$0x1] =	stream.indirect.gather [hbm4b:s1+s16], $0x80, s12, s16, $0xb8;
	[tilespmem:$0x1D400] =	vst v63  }
0x210: {  	_ =	swait.ge [sflag:s22], $0x4000  }
0x211: {  	[sflag:s22] =	ssyncset.done $0x0  }
0x212: {  	s10 =	rddreg [dreg:$0x17];
	[sflag:s22] =	ssyncadd.s32 $0xFFFFC000  }
0x213: {  	[tilespmem:s18], [sflag:$0x2] =	stream.indirect.gather [hbm4b:s1+s16], $0x80, s10, s16, $0xb8;
	[tilespmem:$0x1D400] =	vst v63  }
0x214: {  	_ =	swait.ge [sflag:s23], $0x4000  }
0x215: {  	[sflag:s23] =	ssyncset.done $0x0  }
0x216: {  	s11 =	rddreg [dreg:$0x18];
	[sflag:s23] =	ssyncadd.s32 $0xFFFFC000  }
0x217: {  	[spmem:s3] =	stream.indirect.scatter.add.f32 [tilespmem:s13], [sflag:$0x3], $0x80, s11, s16, $0xb8;
	[tilespmem:$0x1D400] =	vst v63  }
0x218: {  	_ =	swait.ge [sflag:s24], $0x4000  }
0x219: {  	s12 =	rddreg [dreg:$0x19];
	[sflag:s24] =	ssyncset.done $0x0  }
0x21a: {  	s10 =	rddreg [dreg:$0x5];
	[sflag:s24] =	ssyncadd.s32 $0xFFFFC000  }
0x21b: {  	[spmem:s3] =	stream.indirect.scatter.add.f32 [tilespmem:s18], [sflag:$0x4], $0x80, s12, s16, $0xb8;
	[tilespmem:$0x1D400] =	vst v63  }
0x21c: {  	s11 =	sadd.s32 s9, s10  }
0x21d: {  	[tilespmem:s15], [sflag:$0x5] =	stream.linear.gather [hbm4b:s11+s4], $0x500, $0x38;
	[tilespmem:$0x1D400] =	vst v63  }
0x21e: {  	_ =	swait.ge [sflag:s14], $0x500  }
0x21f: {  	s12 =	rddreg [dreg:$0x4];
	[sflag:s14] =	ssyncset.done $0x0  }
0x220: {  	[sflag:s14] =	ssyncadd.s32 $0xFFFFFB00;
	s5 =	sadd.s32 s9, s12  }
0x221: {  	[tilespmem:s25], [sflag:$0x5] =	stream.linear.gather [hbm4b:s5+s4], $0x500, $0x38;
	[tilespmem:$0x1D400] =	vst v63  }
0x222: {  	_ =	swait.ge [sflag:s14], $0x500  }
0x223: {  	[sflag:s14] =	ssyncset.done $0x0  }
0x224: {  	[sflag:s14] =	ssyncadd.s32 $0xFFFFFB00  }
0x225: {  	_ =	swait.ge [sflag:s21], $0x4000  }
0x226: {  	[sflag:s21] =	ssyncset.done $0x0  }
0x227: {  	[sflag:s21] =	ssyncadd.s32 $0xFFFFC000  }
0x228: {  	[tilespmem:s13], [sflag:$0x1] =	stream.indirect.gather [hbm4b:s1+s16], $0x80, s25, s16, $0xb8;
	[tilespmem:$0x1D400] =	vst v63  }
0x229: {  	_ =	swait.ge [sflag:s22], $0x4000  }
0x22a: {  	[sflag:s22] =	ssyncset.done $0x0  }
0x22b: {  	s9 =	rddreg [dreg:$0x1a];
	[sflag:s22] =	ssyncadd.s32 $0xFFFFC000  }
0x22c: {  	[tilespmem:s18], [sflag:$0x2] =	stream.indirect.gather [hbm4b:s1+s16], $0x80, s9, s16, $0xb8;
	[tilespmem:$0x1D400] =	vst v63  }
0x22d: {  	_ =	swait.ge [sflag:s23], $0x4000  }
0x22e: {  	[sflag:s23] =	ssyncset.done $0x0  }
0x22f: {  	[sflag:s23] =	ssyncadd.s32 $0xFFFFC000  }
0x230: {  	[spmem:s3] =	stream.indirect.scatter.add.f32 [tilespmem:s13], [sflag:$0x3], $0x80, s15, s16, $0xb8;
	[tilespmem:$0x1D400] =	vst v63  }
0x231: {  	_ =	swait.ge [sflag:s24], $0x4000  }
0x232: {  	[sflag:s24] =	ssyncset.done $0x0  }
0x233: {  	[sflag:s24] =	ssyncadd.s32 $0xFFFFC000  }
0x234: {  	[spmem:s3] =	stream.indirect.scatter.add.f32 [tilespmem:s18], [sflag:$0x4], $0x80, s17, s16, $0xb8;
	[tilespmem:$0x1D400] =	vst v63  }
0x235: {  	_ =	swait.ge [sflag:s21], $0x4000  }
0x236: {  	[sflag:s21] =	ssyncset.done $0x0  }
0x237: {  	s10 =	rddreg [dreg:$0x1b];
	[sflag:s21] =	ssyncadd.s32 $0xFFFFC000  }
0x238: {  	[tilespmem:s13], [sflag:$0x1] =	stream.indirect.gather [hbm4b:s1+s16], $0x80, s10, s16, $0xb8;
	[tilespmem:$0x1D400] =	vst v63  }
0x239: {  	_ =	swait.ge [sflag:s22], $0x4000  }
0x23a: {  	[sflag:s22] =	ssyncset.done $0x0  }
0x23b: {  	s11 =	rddreg [dreg:$0x1c];
	[sflag:s22] =	ssyncadd.s32 $0xFFFFC000  }
0x23c: {  	[tilespmem:s18], [sflag:$0x2] =	stream.indirect.gather [hbm4b:s1+s16], $0x80, s11, s16, $0xb8;
	[tilespmem:$0x1D400] =	vst v63  }
0x23d: {  	_ =	swait.ge [sflag:s23], $0x4000  }
0x23e: {  	[sflag:s23] =	ssyncset.done $0x0  }
0x23f: {  	s12 =	rddreg [dreg:$0x1d];
	[sflag:s23] =	ssyncadd.s32 $0xFFFFC000  }
0x240: {  	[spmem:s3] =	stream.indirect.scatter.add.f32 [tilespmem:s13], [sflag:$0x3], $0x80, s12, s16, $0xb8;
	[tilespmem:$0x1D400] =	vst v63  }
0x241: {  	_ =	swait.ge [sflag:s24], $0x4000  }
0x242: {  	[sflag:s24] =	ssyncset.done $0x0  }
0x243: {  	s9 =	rddreg [dreg:$0x1e];
	[sflag:s24] =	ssyncadd.s32 $0xFFFFC000  }
0x244: {  	[spmem:s3] =	stream.indirect.scatter.add.f32 [tilespmem:s18], [sflag:$0x4], $0x80, s9, s16, $0xb8;
	[tilespmem:$0x1D400] =	vst v63  }
0x245: {  	_ =	swait.ge [sflag:s21], $0x4000  }
0x246: {  	[sflag:s21] =	ssyncset.done $0x0  }
0x247: {  	s10 =	rddreg [dreg:$0x1f];
	[sflag:s21] =	ssyncadd.s32 $0xFFFFC000  }
0x248: {  	[tilespmem:s13], [sflag:$0x1] =	stream.indirect.gather [hbm4b:s1+s16], $0x80, s10, s16, $0xb8;
	[tilespmem:$0x1D400] =	vst v63  }
0x249: {  	_ =	swait.ge [sflag:s22], $0x4000  }
0x24a: {  	s11 =	sld [smem:$0x7FC]  }
0x24b: {  	[sflag:s22] =	ssyncset.done $0x0  }
0x24c: {  	[sflag:s22] =	ssyncadd.s32 $0xFFFFC000  }
0x24d: {  	[tilespmem:s18], [sflag:$0x2] =	stream.indirect.gather [hbm4b:s1+s16], $0x80, s11, s16, $0xb8;
	[tilespmem:$0x1D400] =	vst v63  }
0x24e: {  	_ =	swait.ge [sflag:s23], $0x4000  }
0x24f: {  	s12 =	sld [smem:$0x7FD]  }
0x250: {  	[sflag:s23] =	ssyncset.done $0x0  }
0x251: {  	[sflag:s23] =	ssyncadd.s32 $0xFFFFC000  }
0x252: {  	[spmem:s3] =	stream.indirect.scatter.add.f32 [tilespmem:s13], [sflag:$0x3], $0x80, s12, s16, $0xb8;
	[tilespmem:$0x1D400] =	vst v63  }
0x253: {  	_ =	swait.ge [sflag:s24], $0x4000  }
0x254: {  	[sflag:s24] =	ssyncset.done $0x0  }
0x255: {  	[sflag:s24] =	ssyncadd.s32 $0xFFFFC000  }
0x256: {  	[spmem:s3] =	stream.indirect.scatter.add.f32 [tilespmem:s18], [sflag:$0x4], $0x80, s26, s16, $0xb8;
	[tilespmem:$0x1D400] =	vst v63  }
0x257: {  	_ =	swait.ge [sflag:s21], $0x4000  }
0x258: {  	[sflag:s21] =	ssyncset.done $0x0  }
0x259: {  	[sflag:s21] =	ssyncadd.s32 $0xFFFFC000  }
0x25a: {  	[tilespmem:s13], [sflag:$0x1] =	stream.indirect.gather [hbm4b:s1+s16], $0x80, s28, s16, $0xb8;
	[tilespmem:$0x1D400] =	vst v63  }
0x25b: {  	_ =	swait.ge [sflag:s22], $0x4000  }
0x25c: {  	[sflag:s22] =	ssyncset.done $0x0  }
0x25d: {  	[sflag:s22] =	ssyncadd.s32 $0xFFFFC000  }
0x25e: {  	[tilespmem:s18], [sflag:$0x2] =	stream.indirect.gather [hbm4b:s1+s16], $0x80, s29, s16, $0xb8;
	[tilespmem:$0x1D400] =	vst v63  }
0x25f: {  	_ =	swait.ge [sflag:s23], $0x4000  }
0x260: {  	[sflag:s23] =	ssyncset.done $0x0  }
0x261: {  	[sflag:s23] =	ssyncadd.s32 $0xFFFFC000  }
0x262: {  	[spmem:s3] =	stream.indirect.scatter.add.f32 [tilespmem:s13], [sflag:$0x3], $0x80, s30, s16, $0xb8;
	[tilespmem:$0x1D400] =	vst v63  }
0x263: {  	_ =	swait.ge [sflag:s24], $0x4000  }
0x264: {  	[sflag:s24] =	ssyncset.done $0x0  }
0x265: {  	[sflag:s24] =	ssyncadd.s32 $0xFFFFC000  }
0x266: {  	[spmem:s3] =	stream.indirect.scatter.add.f32 [tilespmem:s18], [sflag:$0x4], $0x80, s31, s16, $0xb8;
	[tilespmem:$0x1D400] =	vst v63  }
0x267: {  	_ =	swait.ge [sflag:s21], $0x4000  }
0x268: {  	[sflag:s21] =	ssyncset.done $0x0  }
0x269: {  	[sflag:s21] =	ssyncadd.s32 $0xFFFFC000  }
0x26a: {  	[tilespmem:s13], [sflag:$0x1] =	stream.indirect.gather [hbm4b:s1+s16], $0x80, s2, s16, $0xb8;
	[tilespmem:$0x1D400] =	vst v63  }
0x26b: {  	_ =	swait.ge [sflag:s22], $0x4000  }
0x26c: {  	[sflag:s22] =	ssyncset.done $0x0  }
0x26d: {  	[sflag:s22] =	ssyncadd.s32 $0xFFFFC000  }
0x26e: {  	[tilespmem:s18], [sflag:$0x2] =	stream.indirect.gather [hbm4b:s1+s16], $0x80, s0, s16, $0xb8;
	[tilespmem:$0x1D400] =	vst v63  }
0x26f: {  	_ =	swait.ge [sflag:s23], $0x4000  }
0x270: {  	[sflag:s23] =	ssyncset.done $0x0  }
0x271: {  	[sflag:s23] =	ssyncadd.s32 $0xFFFFC000  }
0x272: {  	[spmem:s3] =	stream.indirect.scatter.add.f32 [tilespmem:s13], [sflag:$0x3], $0x80, s6, s16, $0xb8;
	[tilespmem:$0x1D400] =	vst v63  }
0x273: {  	_ =	swait.ge [sflag:s24], $0x4000  }
0x274: {  	[sflag:s24] =	ssyncset.done $0x0  }
0x275: {  	[sflag:s24] =	ssyncadd.s32 $0xFFFFC000  }
0x276: {  	[spmem:s3] =	stream.indirect.scatter.add.f32 [tilespmem:s18], [sflag:$0x4], $0x80, s7, s16, $0xb8;
	[tilespmem:$0x1D400] =	vst v63  }
0x277: {  	_ =	swait.ge [sflag:s21], $0x4000  }
0x278: {  	[sflag:s21] =	ssyncset.done $0x0  }
0x279: {  	[sflag:s21] =	ssyncadd.s32 $0xFFFFC000  }
0x27a: {  	_ =	swait.ge [sflag:s22], $0x4000  }
0x27b: {  	[sflag:s22] =	ssyncset.done $0x0  }
0x27c: {  	[sflag:s22] =	ssyncadd.s32 $0xFFFFC000  }
0x27d: {  	[bflag:$0x0] =	sbarrier.arrive $0xFFFF  }
0x27e: {  	s10 =	sld [smem:$0x7F9]  }
0x27f: {  	s9 =	stileid.u32;
	s11 =	sld [smem:$0x7FB]  }
0x280: {  	s5 =	sshll.u32 s9, $0x6  }
0x281: {  	s5 =	sor.u32 $0x1C05, s5;
	s9 =	sshrl.u32 s10, $0x3  }
0x282: {  	[hbm:s11], [sflag:s5] =	dma.local [spmem:s9], $0x2800  }
0x283: {  	_ =	swait.ge [sflag:s14], $0x2800  }
0x284: {  	s12 =	sld [smem:$0x7F5];
	_ =	sdelay $0x1  }
0x285: {  	s8 =	sadd.s32 $0x1, s8  }
0x286: {  	p0 =	sne.s32 s8, s12  }
.Ltmp2:
0x287: {  	_ = 	snop;
	(pc) =	sbr.rel @p0 .LBB2_1-.Ltmp2, $3  }
0x288: {  	_ =	sdelay $0x1  }
0x289: {  	[sflag:s14] =	ssyncset.done $0x0  }
0x28a: {  	[sflag:s14] =	ssyncadd.s32 $0xFFFFD800  }
0x28b: {  	_ =	sfence.sel $0x180000  }
0x28c: {  	[bflag:$0x0] =	sbarrier.arrive $0xFFFF  }
0x28d: {  	_ =	strace $0x90000047  }
0x28e: {  	s0 =	stileid.u32;
	[bflag:$0x2] =	sbarrier.arrive $0xFFFF  }
0x28f: {  	p0 =	sne.s32 s0, $0x0;
	s0 =	rddreg [dreg:$0x3]  }
0x290: {  	s0 =	sadd.s32 @!p0 $0x100000, s0  }
0x291: {  	[sflag:s0] =	ssyncadd.tile.s32 @!p0 $0x1;
	_ =	shalt  }
.Lfunc_end2:
_tile_overlayer_lowered:
.L_overlay_start_2:
0x292: {  	(tag) =	ssettag $0x2  }
0x293: {  	s0 =	rddreg [dreg:$0x0];
	s2 =	stileid.u32  }
0x294: {  	s1 =	rddreg [dreg:$0x1];
	p0 =	sne.s32 s2, $0x0  }
0x295: {  	s3 =	rddreg [dreg:$0x2];
	[bflag:$0x3] =	sbarrier.arrive $0xFFFF;
	s2 =	simm.s32 @!p0 $0x1C05  }
0x296: {  	[timem:s3], [sflag:s2] =	dma.local @!p0 [hbm:s0], s1  }
0x297: {  	s0 =	simm.s32 @!p0 $0x5  }
0x298: {  	_ =	swait.ge @!p0 [sflag:s0], s1  }
0x299: {  	s1 =	ssub.s32 @!p0 $0x0, s1;
	[sflag:s0] =	ssyncset.done @!p0 $0x0  }
0x29a: {  	[sflag:s0] =	ssyncadd.s32 @!p0 s1  }
0x29b: {  	[bflag:$0x3] =	sbarrier.arrive $0xFFFF  }
0x29c: {  	_ =	shalt  }

</sc_bundles>
